<compile_context>
chip_gen: v7x
topology: tpu7x:2x2x1
jax: 0.10.2.dev20260603
libtpu: 0.0.44.dev20260713+nightly
codegen_flags: <defaults>
</compile_context>

<pallas_src>
import functools

import jax
import jax.numpy as jnp
from jax import lax
from jax.experimental import pallas as pl
from jax.experimental.pallas import tpu as pltpu
from jax.experimental.pallas import tpu_sc as plsc

_N_NODES = 50000
_N_EDGES = 1600000
_AVG_LOG_DEGREE = 3.4965

_NC = 2
_NS = 16
_NW = _NC * _NS
_CHUNK = 49920
_CH = 4160
_N_DESC = _CHUNK // _CH
_NBUF = 4
_NSTAGE = 6
_SCHUNK = _CHUNK // _NSTAGE
_DESC_PER_STAGE = _N_DESC // _NSTAGE
_EXTRA = 128
_EXTRA_BASE = _NW * _CHUNK
_N_EXTRA = (_N_EDGES - _EXTRA_BASE) // _EXTRA
_N_PAD = 50176
_SLICE = _N_PAD // _NS


def _sc_hist_body(ei_hbm, out_hbm, idx_v, extra_v, ones_v, zeros_v, sum_v,
                  b0, b1, b2, b3, ebuf, hist_sh,
                  s0, s1, s2, s3, e0, t0, t1, t2, t3, t4, t5):
    c = lax.axis_index("c")
    s = lax.axis_index("s")
    w = c * _NS + s
    bufs = (b0, b1, b2, b3)
    sems = (s0, s1, s2, s3)
    stage_sems = (t0, t1, t2, t3, t4, t5)

    base = pl.multiple_of(w * _CHUNK, 128)
    for k in range(_NSTAGE):
        pltpu.async_copy(
            ei_hbm.at[pl.ds(0, 2), pl.ds(base + k * _SCHUNK, _SCHUNK)],
            idx_v.at[pl.ds(0, 2), pl.ds(k * _SCHUNK, _SCHUNK)],
            stage_sems[k],
        )

    ones16 = jnp.ones((16,), jnp.float32)
    zeros16 = jnp.zeros((16,), jnp.float32)

    def _oinit(i):
        ones_v[pl.ds(i * 16, 16)] = ones16

    plsc.parallel_loop(0, _CH // 16, unroll=8)(_oinit)

    def _zinit(i):
        zeros_v[pl.ds(i * 16, 16)] = zeros16

    plsc.parallel_loop(0, _SLICE // 16, unroll=8)(_zinit)

    off = pl.multiple_of(s * _SLICE, 8)
    pltpu.sync_copy(zeros_v, hist_sh.at[pl.ds(off, _SLICE)])
    plsc.subcore_barrier()

    @pl.when(w < _N_EXTRA)
    def _():
        eoff = pl.multiple_of(_EXTRA_BASE + w * _EXTRA, 128)
        pltpu.sync_copy(ei_hbm.at[pl.ds(0, 2), pl.ds(eoff, _EXTRA)], extra_v)

        def _erp(i):
            ebuf[pl.ds(i * 16, 16)] = extra_v[1, pl.ds(i * 16, 16)]

        plsc.parallel_loop(0, _EXTRA // 16, unroll=8)(_erp)
        pltpu.async_copy(
            ones_v.at[pl.ds(0, _EXTRA)], hist_sh.at[ebuf], e0, add=True
        )

    for j in range(_N_DESC):
        if j % _DESC_PER_STAGE == 0:
            k = j // _DESC_PER_STAGE
            pltpu.make_async_copy(
                ei_hbm.at[pl.ds(0, 2), pl.ds(base + k * _SCHUNK, _SCHUNK)],
                idx_v.at[pl.ds(0, 2), pl.ds(k * _SCHUNK, _SCHUNK)],
                stage_sems[k],
            ).wait()
        buf = bufs[j % _NBUF]
        sem = sems[j % _NBUF]
        if j >= _NBUF:
            pltpu.make_async_copy(ones_v, hist_sh.at[buf], sem).wait()

        def _rp(i, _buf=buf, _j=j):
            _buf[pl.ds(i * 16, 16)] = idx_v[1, pl.ds(_j * _CH + i * 16, 16)]

        plsc.parallel_loop(0, _CH // 16, unroll=8)(_rp)
        pltpu.async_copy(ones_v, hist_sh.at[buf], sem, add=True)

    for j in range(_N_DESC - _NBUF, _N_DESC):
        pltpu.make_async_copy(
            ones_v, hist_sh.at[bufs[j % _NBUF]], sems[j % _NBUF]
        ).wait()

    @pl.when(w < _N_EXTRA)
    def _():
        pltpu.make_async_copy(
            ones_v.at[pl.ds(0, _EXTRA)], hist_sh.at[ebuf], e0
        ).wait()

    plsc.subcore_barrier()

    oout = pl.multiple_of(c * _N_PAD + s * _SLICE, 8)
    pltpu.sync_copy(hist_sh.at[pl.ds(off, _SLICE)], sum_v)
    pltpu.sync_copy(sum_v, out_hbm.at[pl.ds(oout, _SLICE)])


@functools.cache
def _sc_hist():
    return pl.kernel(
        _sc_hist_body,
        out_type=jax.ShapeDtypeStruct((_NC * _N_PAD,), jnp.float32),
        mesh=plsc.VectorSubcoreMesh(core_axis_name="c", subcore_axis_name="s"),
        scratch_types=[
            pltpu.VMEM((2, _CHUNK), jnp.int32),
            pltpu.VMEM((2, _EXTRA), jnp.int32),
            pltpu.VMEM((_CH,), jnp.float32),
            pltpu.VMEM((_SLICE,), jnp.float32),
            pltpu.VMEM((_SLICE,), jnp.float32),
            pltpu.VMEM((_CH,), jnp.int32),
            pltpu.VMEM((_CH,), jnp.int32),
            pltpu.VMEM((_CH,), jnp.int32),
            pltpu.VMEM((_CH,), jnp.int32),
            pltpu.VMEM((_EXTRA,), jnp.int32),
            pltpu.MemorySpace.VMEM_SHARED((_N_PAD,), jnp.float32),
            pltpu.SemaphoreType.DMA,
            pltpu.SemaphoreType.DMA,
            pltpu.SemaphoreType.DMA,
            pltpu.SemaphoreType.DMA,
            pltpu.SemaphoreType.DMA,
            pltpu.SemaphoreType.DMA,
            pltpu.SemaphoreType.DMA,
            pltpu.SemaphoreType.DMA,
            pltpu.SemaphoreType.DMA,
            pltpu.SemaphoreType.DMA,
            pltpu.SemaphoreType.DMA,
        ],
    )


def _tc_finish_body(alpha_ref, part_ref, out_ref):
    h = part_ref[0] + part_ref[1]
    a = alpha_ref[0, 0]
    out_ref[...] = (jnp.log(h + 1.0) / _AVG_LOG_DEGREE) ** a


_tc_finish = pl.pallas_call(
    _tc_finish_body,
    out_shape=jax.ShapeDtypeStruct((_N_PAD // 128, 128), jnp.float32),
    in_specs=[
        pl.BlockSpec(memory_space=pltpu.MemorySpace.SMEM),
        pl.BlockSpec(memory_space=pltpu.MemorySpace.VMEM),
    ],
    out_specs=pl.BlockSpec(memory_space=pltpu.MemorySpace.VMEM),
)


def kernel(edge_index, alpha):
    partial = _sc_hist()(edge_index)
    part3d = partial.reshape(_NC, _N_PAD // 128, 128)
    s = _tc_finish(alpha.reshape(1, 1), part3d)
    return s.reshape(_N_PAD)[:_N_NODES]

# --- scband reference (transcript-rebuilt; emitter-appended) ---
"""Pipeline reference for scband-degree-scaler-65309272703424 (READ-ONLY COPY).

The authoritative reference and input builder live on the scoring server;
editing this copy changes nothing except your own understanding.
"""

import jax, jax.numpy as jnp
import numpy as np

N_NODES = 50000
N_EDGES = 1600000
AVG_LOG_DEGREE = 3.4965


def setup_inputs(seed: int = 0) -> dict:
    key = jax.random.key(seed)
    k_e, k_a = jax.random.split(key)
    edge_index = jax.random.randint(k_e, (2, N_EDGES), 0, N_NODES, dtype=jnp.int32)
    alpha = jnp.ones((1,), dtype=jnp.float32)
    return {"edge_index": edge_index, "alpha": alpha}


def reference(edge_index, alpha):
    # degree(edge_index[1]): count occurrences of each destination node -> in-degree
    in_degree = jnp.bincount(edge_index[1], length=N_NODES).astype(jnp.float32)
    s = (jnp.log(in_degree + 1.0) / AVG_LOG_DEGREE) ** alpha
    return s

if __name__ == "__main__":
    import jax
    _d = setup_inputs()
    print(jax.jit(kernel)(*tuple(_d.values())))

</pallas_src>

<mosaic_0001>
#map = affine_map<(d0, d1) -> (0, 0)>
#map1 = affine_map<(d0, d1) -> (0)>
module attributes {stable_mosaic.version = 14 : i64} {
  func.func @_sc_hist_body(%arg0: i32, %arg1: i32, %arg2: memref<2x1600000xi32, #tpu.memory_space<hbm>>, %arg3: memref<100352xf32, #tpu.memory_space<hbm>>, %arg4: memref<2x49920xi32, #tpu.memory_space<vmem>>, %arg5: memref<2x128xi32, #tpu.memory_space<vmem>>, %arg6: memref<4160xf32, #tpu.memory_space<vmem>>, %arg7: memref<3136xf32, #tpu.memory_space<vmem>>, %arg8: memref<3136xf32, #tpu.memory_space<vmem>>, %arg9: memref<4160xi32, #tpu.memory_space<vmem>>, %arg10: memref<4160xi32, #tpu.memory_space<vmem>>, %arg11: memref<4160xi32, #tpu.memory_space<vmem>>, %arg12: memref<4160xi32, #tpu.memory_space<vmem>>, %arg13: memref<128xi32, #tpu.memory_space<vmem>>, %arg14: memref<50176xf32, #tpu.memory_space<vmem_shared>>, %arg15: memref<!tpu.dma_semaphore, #tpu.memory_space<semaphore_mem>>, %arg16: memref<!tpu.dma_semaphore, #tpu.memory_space<semaphore_mem>>, %arg17: memref<!tpu.dma_semaphore, #tpu.memory_space<semaphore_mem>>, %arg18: memref<!tpu.dma_semaphore, #tpu.memory_space<semaphore_mem>>, %arg19: memref<!tpu.dma_semaphore, #tpu.memory_space<semaphore_mem>>, %arg20: memref<!tpu.dma_semaphore, #tpu.memory_space<semaphore_mem>>, %arg21: memref<!tpu.dma_semaphore, #tpu.memory_space<semaphore_mem>>, %arg22: memref<!tpu.dma_semaphore, #tpu.memory_space<semaphore_mem>>, %arg23: memref<!tpu.dma_semaphore, #tpu.memory_space<semaphore_mem>>, %arg24: memref<!tpu.dma_semaphore, #tpu.memory_space<semaphore_mem>>, %arg25: memref<!tpu.dma_semaphore, #tpu.memory_space<semaphore_mem>>) attributes {dimension_semantics = [#tpu.dimension_semantics<core_parallel>, #tpu.dimension_semantics<subcore_parallel>], iteration_bounds = array<i64: 2, 16>, scalar_prefetch = 0 : i64, scratch_operands = 22 : i64, tpu.core_type = #tpu.core_type<sc_vector_subcore>, window_params = [{transform_indices = #map}, {transform_indices = #map1}]} {
    %mul3A = arith.constant 16 : i32
    %mul3A_0 = arith.muli %arg0, %mul3A : i32
    %add3A = arith.addi %mul3A_0, %arg1 : i32
    %mul3A_1 = arith.constant 49920 : i32
    %mul3A_2 = arith.muli %add3A, %mul3A_1 : i32
    %multiple_of3A = tpu.assume_multiple %mul3A_2, 128 : i32
    %add3A_3 = arith.constant 0 : i32
    %add3A_4 = arith.addi %multiple_of3A, %add3A_3 : i32
    %dma_start3A = arith.constant 0 : i32
    %dma_start3A_5 = arith.constant 0 : i32
    %dma_start3A_6 = tpu.memref_slice %arg4[%dma_start3A, %dma_start3A_5] : memref<2x49920xi32, #tpu.memory_space<vmem>> -> memref<2x8320xi32, #tpu.memory_space<vmem>>
    %dma_start3A_7 = arith.constant 0 : i32
    %dma_start3A_8 = tpu.memref_slice %arg2[%dma_start3A_7, %add3A_4] : memref<2x1600000xi32, #tpu.memory_space<hbm>> -> memref<2x8320xi32, #tpu.memory_space<hbm>>
    %dma_start3A_9 = arith.constant 0 : i32
    %dma_start3A_10 = arith.constant 0 : i32
    %dma_start3A_11 = tpu.memref_slice %arg4[%dma_start3A_9, %dma_start3A_10] : memref<2x49920xi32, #tpu.memory_space<vmem>> -> memref<2x8320xi32, #tpu.memory_space<vmem>>
    %dma_start3A_12 = arith.constant 0 : i32
    %dma_start3A_13 = tpu.memref_slice %arg2[%dma_start3A_12, %add3A_4] : memref<2x1600000xi32, #tpu.memory_space<hbm>> -> memref<2x8320xi32, #tpu.memory_space<hbm>>
    tpu.enqueue_dma source(%dma_start3A_13 : memref<2x8320xi32, #tpu.memory_space<hbm>>) target(%dma_start3A_11 : memref<2x8320xi32, #tpu.memory_space<vmem>>) target_semaphore(%arg20 : memref<!tpu.dma_semaphore, #tpu.memory_space<semaphore_mem>>)
    %add3A_14 = arith.constant 8320 : i32
    %add3A_15 = arith.addi %multiple_of3A, %add3A_14 : i32
    %dma_start3A_16 = arith.constant 0 : i32
    %dma_start3A_17 = arith.constant 8320 : i32
    %dma_start3A_18 = tpu.memref_slice %arg4[%dma_start3A_16, %dma_start3A_17] : memref<2x49920xi32, #tpu.memory_space<vmem>> -> memref<2x8320xi32, #tpu.memory_space<vmem>>
    %dma_start3A_19 = arith.constant 0 : i32
    %dma_start3A_20 = tpu.memref_slice %arg2[%dma_start3A_19, %add3A_15] : memref<2x1600000xi32, #tpu.memory_space<hbm>> -> memref<2x8320xi32, #tpu.memory_space<hbm>>
    %dma_start3A_21 = arith.constant 0 : i32
    %dma_start3A_22 = arith.constant 8320 : i32
    %dma_start3A_23 = tpu.memref_slice %arg4[%dma_start3A_21, %dma_start3A_22] : memref<2x49920xi32, #tpu.memory_space<vmem>> -> memref<2x8320xi32, #tpu.memory_space<vmem>>
    %dma_start3A_24 = arith.constant 0 : i32
    %dma_start3A_25 = tpu.memref_slice %arg2[%dma_start3A_24, %add3A_15] : memref<2x1600000xi32, #tpu.memory_space<hbm>> -> memref<2x8320xi32, #tpu.memory_space<hbm>>
    tpu.enqueue_dma source(%dma_start3A_25 : memref<2x8320xi32, #tpu.memory_space<hbm>>) target(%dma_start3A_23 : memref<2x8320xi32, #tpu.memory_space<vmem>>) target_semaphore(%arg21 : memref<!tpu.dma_semaphore, #tpu.memory_space<semaphore_mem>>)
    %add3A_26 = arith.constant 16640 : i32
    %add3A_27 = arith.addi %multiple_of3A, %add3A_26 : i32
    %dma_start3A_28 = arith.constant 0 : i32
    %dma_start3A_29 = arith.constant 16640 : i32
    %dma_start3A_30 = tpu.memref_slice %arg4[%dma_start3A_28, %dma_start3A_29] : memref<2x49920xi32, #tpu.memory_space<vmem>> -> memref<2x8320xi32, #tpu.memory_space<vmem>>
    %dma_start3A_31 = arith.constant 0 : i32
    %dma_start3A_32 = tpu.memref_slice %arg2[%dma_start3A_31, %add3A_27] : memref<2x1600000xi32, #tpu.memory_space<hbm>> -> memref<2x8320xi32, #tpu.memory_space<hbm>>
    %dma_start3A_33 = arith.constant 0 : i32
    %dma_start3A_34 = arith.constant 16640 : i32
    %dma_start3A_35 = tpu.memref_slice %arg4[%dma_start3A_33, %dma_start3A_34] : memref<2x49920xi32, #tpu.memory_space<vmem>> -> memref<2x8320xi32, #tpu.memory_space<vmem>>
    %dma_start3A_36 = arith.constant 0 : i32
    %dma_start3A_37 = tpu.memref_slice %arg2[%dma_start3A_36, %add3A_27] : memref<2x1600000xi32, #tpu.memory_space<hbm>> -> memref<2x8320xi32, #tpu.memory_space<hbm>>
    tpu.enqueue_dma source(%dma_start3A_37 : memref<2x8320xi32, #tpu.memory_space<hbm>>) target(%dma_start3A_35 : memref<2x8320xi32, #tpu.memory_space<vmem>>) target_semaphore(%arg22 : memref<!tpu.dma_semaphore, #tpu.memory_space<semaphore_mem>>)
    %add3A_38 = arith.constant 24960 : i32
    %add3A_39 = arith.addi %multiple_of3A, %add3A_38 : i32
    %dma_start3A_40 = arith.constant 0 : i32
    %dma_start3A_41 = arith.constant 24960 : i32
    %dma_start3A_42 = tpu.memref_slice %arg4[%dma_start3A_40, %dma_start3A_41] : memref<2x49920xi32, #tpu.memory_space<vmem>> -> memref<2x8320xi32, #tpu.memory_space<vmem>>
    %dma_start3A_43 = arith.constant 0 : i32
    %dma_start3A_44 = tpu.memref_slice %arg2[%dma_start3A_43, %add3A_39] : memref<2x1600000xi32, #tpu.memory_space<hbm>> -> memref<2x8320xi32, #tpu.memory_space<hbm>>
    %dma_start3A_45 = arith.constant 0 : i32
    %dma_start3A_46 = arith.constant 24960 : i32
    %dma_start3A_47 = tpu.memref_slice %arg4[%dma_start3A_45, %dma_start3A_46] : memref<2x49920xi32, #tpu.memory_space<vmem>> -> memref<2x8320xi32, #tpu.memory_space<vmem>>
    %dma_start3A_48 = arith.constant 0 : i32
    %dma_start3A_49 = tpu.memref_slice %arg2[%dma_start3A_48, %add3A_39] : memref<2x1600000xi32, #tpu.memory_space<hbm>> -> memref<2x8320xi32, #tpu.memory_space<hbm>>
    tpu.enqueue_dma source(%dma_start3A_49 : memref<2x8320xi32, #tpu.memory_space<hbm>>) target(%dma_start3A_47 : memref<2x8320xi32, #tpu.memory_space<vmem>>) target_semaphore(%arg23 : memref<!tpu.dma_semaphore, #tpu.memory_space<semaphore_mem>>)
    %add3A_50 = arith.constant 33280 : i32
    %add3A_51 = arith.addi %multiple_of3A, %add3A_50 : i32
    %dma_start3A_52 = arith.constant 0 : i32
    %dma_start3A_53 = arith.constant 33280 : i32
    %dma_start3A_54 = tpu.memref_slice %arg4[%dma_start3A_52, %dma_start3A_53] : memref<2x49920xi32, #tpu.memory_space<vmem>> -> memref<2x8320xi32, #tpu.memory_space<vmem>>
    %dma_start3A_55 = arith.constant 0 : i32
    %dma_start3A_56 = tpu.memref_slice %arg2[%dma_start3A_55, %add3A_51] : memref<2x1600000xi32, #tpu.memory_space<hbm>> -> memref<2x8320xi32, #tpu.memory_space<hbm>>
    %dma_start3A_57 = arith.constant 0 : i32
    %dma_start3A_58 = arith.constant 33280 : i32
    %dma_start3A_59 = tpu.memref_slice %arg4[%dma_start3A_57, %dma_start3A_58] : memref<2x49920xi32, #tpu.memory_space<vmem>> -> memref<2x8320xi32, #tpu.memory_space<vmem>>
    %dma_start3A_60 = arith.constant 0 : i32
    %dma_start3A_61 = tpu.memref_slice %arg2[%dma_start3A_60, %add3A_51] : memref<2x1600000xi32, #tpu.memory_space<hbm>> -> memref<2x8320xi32, #tpu.memory_space<hbm>>
    tpu.enqueue_dma source(%dma_start3A_61 : memref<2x8320xi32, #tpu.memory_space<hbm>>) target(%dma_start3A_59 : memref<2x8320xi32, #tpu.memory_space<vmem>>) target_semaphore(%arg24 : memref<!tpu.dma_semaphore, #tpu.memory_space<semaphore_mem>>)
    %add3A_62 = arith.constant 41600 : i32
    %add3A_63 = arith.addi %multiple_of3A, %add3A_62 : i32
    %dma_start3A_64 = arith.constant 0 : i32
    %dma_start3A_65 = arith.constant 41600 : i32
    %dma_start3A_66 = tpu.memref_slice %arg4[%dma_start3A_64, %dma_start3A_65] : memref<2x49920xi32, #tpu.memory_space<vmem>> -> memref<2x8320xi32, #tpu.memory_space<vmem>>
    %dma_start3A_67 = arith.constant 0 : i32
    %dma_start3A_68 = tpu.memref_slice %arg2[%dma_start3A_67, %add3A_63] : memref<2x1600000xi32, #tpu.memory_space<hbm>> -> memref<2x8320xi32, #tpu.memory_space<hbm>>
    %dma_start3A_69 = arith.constant 0 : i32
    %dma_start3A_70 = arith.constant 41600 : i32
    %dma_start3A_71 = tpu.memref_slice %arg4[%dma_start3A_69, %dma_start3A_70] : memref<2x49920xi32, #tpu.memory_space<vmem>> -> memref<2x8320xi32, #tpu.memory_space<vmem>>
    %dma_start3A_72 = arith.constant 0 : i32
    %dma_start3A_73 = tpu.memref_slice %arg2[%dma_start3A_72, %add3A_63] : memref<2x1600000xi32, #tpu.memory_space<hbm>> -> memref<2x8320xi32, #tpu.memory_space<hbm>>
    tpu.enqueue_dma source(%dma_start3A_73 : memref<2x8320xi32, #tpu.memory_space<hbm>>) target(%dma_start3A_71 : memref<2x8320xi32, #tpu.memory_space<vmem>>) target_semaphore(%arg25 : memref<!tpu.dma_semaphore, #tpu.memory_space<semaphore_mem>>)
    %broadcast_in_dim3A = arith.constant 1.000000e+00 : f32
    %broadcast_in_dim3A_74 = vector.broadcast %broadcast_in_dim3A : f32 to vector<16xf32>
    %broadcast_in_dim3A_75 = arith.constant 0.000000e+00 : f32
    %broadcast_in_dim3A_76 = vector.broadcast %broadcast_in_dim3A_75 : f32 to vector<16xf32>
    %parallel_loop3A = arith.constant 0 : i32
    %parallel_loop3A_77 = arith.constant 260 : i32
    %parallel_loop3A_78 = arith.constant 1 : i32
    scf.for %parallel_loop3A_254 = %parallel_loop3A to %parallel_loop3A_77 step %parallel_loop3A_78  : i32 {
      %parallel_loop3A_255 = arith.constant 16 : i32
      %parallel_loop3A_256 = arith.muli %parallel_loop3A_254, %parallel_loop3A_255 : i32
      %parallel_loop3A_257 = arith.index_cast %parallel_loop3A_256 : i32 to index
      %parallel_loop3A_258 = tpu.vector_load %arg6[%parallel_loop3A_257] {strides = array<i32>} : memref<4160xf32, #tpu.memory_space<vmem>>, vector<16xf32>,
      %parallel_loop3A_259 = vector.shape_cast %parallel_loop3A_258 : vector<16xf32> to vector<16xf32>
      %parallel_loop3A_260 = vector.shape_cast %broadcast_in_dim3A_74 : vector<16xf32> to vector<16xf32>
      tpu.vector_store %arg6[%parallel_loop3A_257], %parallel_loop3A_260 {strides = array<i32>} : memref<4160xf32, #tpu.memory_space<vmem>>, vector<16xf32>,
    } {sc.loop_unroll_factor = 8 : i64, sc.parallel_access}
    %parallel_loop3A_79 = arith.constant 0 : i32
    %parallel_loop3A_80 = arith.constant 196 : i32
    %parallel_loop3A_81 = arith.constant 1 : i32
    scf.for %parallel_loop3A_254 = %parallel_loop3A_79 to %parallel_loop3A_80 step %parallel_loop3A_81  : i32 {
      %parallel_loop3A_255 = arith.constant 16 : i32
      %parallel_loop3A_256 = arith.muli %parallel_loop3A_254, %parallel_loop3A_255 : i32
      %parallel_loop3A_257 = arith.index_cast %parallel_loop3A_256 : i32 to index
      %parallel_loop3A_258 = tpu.vector_load %arg7[%parallel_loop3A_257] {strides = array<i32>} : memref<3136xf32, #tpu.memory_space<vmem>>, vector<16xf32>,
      %parallel_loop3A_259 = vector.shape_cast %parallel_loop3A_258 : vector<16xf32> to vector<16xf32>
      %parallel_loop3A_260 = vector.shape_cast %broadcast_in_dim3A_76 : vector<16xf32> to vector<16xf32>
      tpu.vector_store %arg7[%parallel_loop3A_257], %parallel_loop3A_260 {strides = array<i32>} : memref<3136xf32, #tpu.memory_space<vmem>>, vector<16xf32>,
    } {sc.loop_unroll_factor = 8 : i64, sc.parallel_access}
    %mul3A_82 = arith.constant 3136 : i32
    %mul3A_83 = arith.muli %arg1, %mul3A_82 : i32
    %multiple_of3A_84 = tpu.assume_multiple %mul3A_83, 8 : i32
    "tpu.region"() ({
      %run_scoped3A = tpu.sem_alloc : memref<!tpu.dma_semaphore, #tpu.memory_space<semaphore_mem>>
      %dma_start3A_254 = tpu.memref_slice %arg14[%multiple_of3A_84] : memref<50176xf32, #tpu.memory_space<vmem_shared>> -> memref<3136xf32, #tpu.memory_space<vmem_shared>>
      %dma_start3A_255 = tpu.memref_slice %arg14[%multiple_of3A_84] : memref<50176xf32, #tpu.memory_space<vmem_shared>> -> memref<3136xf32, #tpu.memory_space<vmem_shared>>
      tpu.enqueue_dma source(%arg7 : memref<3136xf32, #tpu.memory_space<vmem>>) target(%dma_start3A_255 : memref<3136xf32, #tpu.memory_space<vmem_shared>>) target_semaphore(%run_scoped3A : memref<!tpu.dma_semaphore, #tpu.memory_space<semaphore_mem>>)
      %dma_wait3A_256 = tpu.memref_slice %arg14[%multiple_of3A_84] : memref<50176xf32, #tpu.memory_space<vmem_shared>> -> memref<3136xf32, #tpu.memory_space<vmem_shared>>
      %dma_wait3A_257 = tpu.memref_slice %arg14[%multiple_of3A_84] : memref<50176xf32, #tpu.memory_space<vmem_shared>> -> memref<3136xf32, #tpu.memory_space<vmem_shared>>
      tpu.wait_dma2 semaphore(%run_scoped3A : memref<!tpu.dma_semaphore, #tpu.memory_space<semaphore_mem>>) src(%arg7 : memref<3136xf32, #tpu.memory_space<vmem>>) dst(%dma_wait3A_257 : memref<3136xf32, #tpu.memory_space<vmem_shared>>)
      tpu.yield
    }) : () -> ()
    %barrier3A = arith.constant 0 : index
    tpu.barrier barrier_id(%barrier3A)
    %lt3A = arith.constant 20 : i32
    %lt3A_85 = arith.cmpi slt, %add3A, %lt3A : i32
    %convert_element_type3A = arith.extui %lt3A_85 : i1 to i32
    %cond3A = arith.constant 0 : i32
    %cond3A_86 = arith.cmpi ne, %convert_element_type3A, %cond3A : i32
    scf.if %cond3A_86 {
      %mul3A_254 = arith.constant 128 : i32
      %mul3A_255 = arith.muli %add3A, %mul3A_254 : i32
      %add3A_256 = arith.constant 1597440 : i32
      %add3A_257 = arith.addi %add3A_256, %mul3A_255 : i32
      %multiple_of3A_258 = tpu.assume_multiple %add3A_257, 128 : i32
      "tpu.region"() ({
        %run_scoped3A = tpu.sem_alloc : memref<!tpu.dma_semaphore, #tpu.memory_space<semaphore_mem>>
        %dma_start3A_266 = arith.constant 0 : i32
        %dma_start3A_267 = tpu.memref_slice %arg2[%dma_start3A_266, %multiple_of3A_258] : memref<2x1600000xi32, #tpu.memory_space<hbm>> -> memref<2x128xi32, #tpu.memory_space<hbm>>
        %dma_start3A_268 = arith.constant 0 : i32
        %dma_start3A_269 = tpu.memref_slice %arg2[%dma_start3A_268, %multiple_of3A_258] : memref<2x1600000xi32, #tpu.memory_space<hbm>> -> memref<2x128xi32, #tpu.memory_space<hbm>>
        tpu.enqueue_dma source(%dma_start3A_269 : memref<2x128xi32, #tpu.memory_space<hbm>>) target(%arg5 : memref<2x128xi32, #tpu.memory_space<vmem>>) target_semaphore(%run_scoped3A : memref<!tpu.dma_semaphore, #tpu.memory_space<semaphore_mem>>)
        %dma_wait3A_270 = arith.constant 0 : i32
        %dma_wait3A_271 = tpu.memref_slice %arg2[%dma_wait3A_270, %multiple_of3A_258] : memref<2x1600000xi32, #tpu.memory_space<hbm>> -> memref<2x128xi32, #tpu.memory_space<hbm>>
        %dma_wait3A_272 = arith.constant 0 : i32
        %dma_wait3A_273 = tpu.memref_slice %arg2[%dma_wait3A_272, %multiple_of3A_258] : memref<2x1600000xi32, #tpu.memory_space<hbm>> -> memref<2x128xi32, #tpu.memory_space<hbm>>
        tpu.wait_dma2 semaphore(%run_scoped3A : memref<!tpu.dma_semaphore, #tpu.memory_space<semaphore_mem>>) src(%dma_wait3A_273 : memref<2x128xi32, #tpu.memory_space<hbm>>) dst(%arg5 : memref<2x128xi32, #tpu.memory_space<vmem>>)
        tpu.yield
      }) : () -> ()
      %parallel_loop3A_259 = arith.constant 0 : i32
      %parallel_loop3A_260 = arith.constant 8 : i32
      %parallel_loop3A_261 = arith.constant 1 : i32
      scf.for %parallel_loop3A_266 = %parallel_loop3A_259 to %parallel_loop3A_260 step %parallel_loop3A_261  : i32 {
        %parallel_loop3A_267 = arith.constant 16 : i32
        %parallel_loop3A_268 = arith.muli %parallel_loop3A_266, %parallel_loop3A_267 : i32
        %parallel_loop3A_269 = arith.constant 1 : i32
        %parallel_loop3A_270 = arith.index_cast %parallel_loop3A_269 : i32 to index
        %parallel_loop3A_271 = arith.index_cast %parallel_loop3A_268 : i32 to index
        %parallel_loop3A_272 = tpu.vector_load %arg5[%parallel_loop3A_270, %parallel_loop3A_271] {strides = array<i32>} : memref<2x128xi32, #tpu.memory_space<vmem>>, vector<1x16xi32>,
        %parallel_loop3A_273 = vector.shape_cast %parallel_loop3A_272 : vector<1x16xi32> to vector<16xi32>
        %parallel_loop3A_274 = arith.constant 16 : i32
        %parallel_loop3A_275 = arith.muli %parallel_loop3A_266, %parallel_loop3A_274 : i32
        %parallel_loop3A_276 = arith.index_cast %parallel_loop3A_275 : i32 to index
        %parallel_loop3A_277 = tpu.vector_load %arg13[%parallel_loop3A_276] {strides = array<i32>} : memref<128xi32, #tpu.memory_space<vmem>>, vector<16xi32>,
        %parallel_loop3A_278 = vector.shape_cast %parallel_loop3A_277 : vector<16xi32> to vector<16xi32>
        %parallel_loop3A_279 = vector.shape_cast %parallel_loop3A_273 : vector<16xi32> to vector<16xi32>
        tpu.vector_store %arg13[%parallel_loop3A_276], %parallel_loop3A_279 {strides = array<i32>} : memref<128xi32, #tpu.memory_space<vmem>>, vector<16xi32>,
      } {sc.loop_unroll_factor = 8 : i64, sc.parallel_access}
      %dma_start3A_262 = arith.constant 0 : i32
      %dma_start3A_263 = tpu.memref_slice %arg6[%dma_start3A_262] : memref<4160xf32, #tpu.memory_space<vmem>> -> memref<128xf32, #tpu.memory_space<vmem>>
      %dma_start3A_264 = arith.constant 0 : i32
      %dma_start3A_265 = tpu.memref_slice %arg14[%dma_start3A_264] : memref<50176xf32, #tpu.memory_space<vmem_shared>> -> memref<50176xf32, #tpu.memory_space<vmem_shared>>
      tpu.enqueue_indirect_dma source(%dma_start3A_263 : memref<128xf32, #tpu.memory_space<vmem>>) target(%dma_start3A_265 : memref<50176xf32, #tpu.memory_space<vmem_shared>>) offsets(%arg13 : memref<128xi32, #tpu.memory_space<vmem>>) semaphore(%arg19 : memref<!tpu.dma_semaphore, #tpu.memory_space<semaphore_mem>>) {add = true}
    } else {
    }
    %add3A_87 = arith.constant 0 : i32
    %add3A_88 = arith.addi %multiple_of3A, %add3A_87 : i32
    %dma_wait3A = arith.constant 0 : i32
    %dma_wait3A_89 = arith.constant 0 : i32
    %dma_wait3A_90 = tpu.memref_slice %arg4[%dma_wait3A, %dma_wait3A_89] : memref<2x49920xi32, #tpu.memory_space<vmem>> -> memref<2x8320xi32, #tpu.memory_space<vmem>>
    %dma_wait3A_91 = arith.constant 0 : i32
    %dma_wait3A_92 = tpu.memref_slice %arg2[%dma_wait3A_91, %add3A_88] : memref<2x1600000xi32, #tpu.memory_space<hbm>> -> memref<2x8320xi32, #tpu.memory_space<hbm>>
    %dma_wait3A_93 = arith.constant 0 : i32
    %dma_wait3A_94 = arith.constant 0 : i32
    %dma_wait3A_95 = tpu.memref_slice %arg4[%dma_wait3A_93, %dma_wait3A_94] : memref<2x49920xi32, #tpu.memory_space<vmem>> -> memref<2x8320xi32, #tpu.memory_space<vmem>>
    %dma_wait3A_96 = arith.constant 0 : i32
    %dma_wait3A_97 = tpu.memref_slice %arg2[%dma_wait3A_96, %add3A_88] : memref<2x1600000xi32, #tpu.memory_space<hbm>> -> memref<2x8320xi32, #tpu.memory_space<hbm>>
    tpu.wait_dma2 semaphore(%arg20 : memref<!tpu.dma_semaphore, #tpu.memory_space<semaphore_mem>>) src(%dma_wait3A_97 : memref<2x8320xi32, #tpu.memory_space<hbm>>) dst(%dma_wait3A_95 : memref<2x8320xi32, #tpu.memory_space<vmem>>)
    %parallel_loop3A_98 = arith.constant 0 : i32
    %parallel_loop3A_99 = arith.constant 260 : i32
    %parallel_loop3A_100 = arith.constant 1 : i32
    scf.for %parallel_loop3A_254 = %parallel_loop3A_98 to %parallel_loop3A_99 step %parallel_loop3A_100  : i32 {
      %parallel_loop3A_255 = arith.constant 16 : i32
      %parallel_loop3A_256 = arith.muli %parallel_loop3A_254, %parallel_loop3A_255 : i32
      %parallel_loop3A_257 = arith.constant 0 : i32
      %parallel_loop3A_258 = arith.addi %parallel_loop3A_257, %parallel_loop3A_256 : i32
      %parallel_loop3A_259 = arith.constant 1 : i32
      %parallel_loop3A_260 = arith.index_cast %parallel_loop3A_259 : i32 to index
      %parallel_loop3A_261 = arith.index_cast %parallel_loop3A_258 : i32 to index
      %parallel_loop3A_262 = tpu.vector_load %arg4[%parallel_loop3A_260, %parallel_loop3A_261] {strides = array<i32>} : memref<2x49920xi32, #tpu.memory_space<vmem>>, vector<1x16xi32>,
      %parallel_loop3A_263 = vector.shape_cast %parallel_loop3A_262 : vector<1x16xi32> to vector<16xi32>
      %parallel_loop3A_264 = arith.constant 16 : i32
      %parallel_loop3A_265 = arith.muli %parallel_loop3A_254, %parallel_loop3A_264 : i32
      %parallel_loop3A_266 = arith.index_cast %parallel_loop3A_265 : i32 to index
      %parallel_loop3A_267 = tpu.vector_load %arg9[%parallel_loop3A_266] {strides = array<i32>} : memref<4160xi32, #tpu.memory_space<vmem>>, vector<16xi32>,
      %parallel_loop3A_268 = vector.shape_cast %parallel_loop3A_267 : vector<16xi32> to vector<16xi32>
      %parallel_loop3A_269 = vector.shape_cast %parallel_loop3A_263 : vector<16xi32> to vector<16xi32>
      tpu.vector_store %arg9[%parallel_loop3A_266], %parallel_loop3A_269 {strides = array<i32>} : memref<4160xi32, #tpu.memory_space<vmem>>, vector<16xi32>,
    } {sc.loop_unroll_factor = 8 : i64, sc.parallel_access}
    %dma_start3A_101 = arith.constant 0 : i32
    %dma_start3A_102 = tpu.memref_slice %arg14[%dma_start3A_101] : memref<50176xf32, #tpu.memory_space<vmem_shared>> -> memref<50176xf32, #tpu.memory_space<vmem_shared>>
    tpu.enqueue_indirect_dma source(%arg6 : memref<4160xf32, #tpu.memory_space<vmem>>) target(%dma_start3A_102 : memref<50176xf32, #tpu.memory_space<vmem_shared>>) offsets(%arg9 : memref<4160xi32, #tpu.memory_space<vmem>>) semaphore(%arg15 : memref<!tpu.dma_semaphore, #tpu.memory_space<semaphore_mem>>) {add = true}
    %parallel_loop3A_103 = arith.constant 0 : i32
    %parallel_loop3A_104 = arith.constant 260 : i32
    %parallel_loop3A_105 = arith.constant 1 : i32
    scf.for %parallel_loop3A_254 = %parallel_loop3A_103 to %parallel_loop3A_104 step %parallel_loop3A_105  : i32 {
      %parallel_loop3A_255 = arith.constant 16 : i32
      %parallel_loop3A_256 = arith.muli %parallel_loop3A_254, %parallel_loop3A_255 : i32
      %parallel_loop3A_257 = arith.constant 4160 : i32
      %parallel_loop3A_258 = arith.addi %parallel_loop3A_257, %parallel_loop3A_256 : i32
      %parallel_loop3A_259 = arith.constant 1 : i32
      %parallel_loop3A_260 = arith.index_cast %parallel_loop3A_259 : i32 to index
      %parallel_loop3A_261 = arith.index_cast %parallel_loop3A_258 : i32 to index
      %parallel_loop3A_262 = tpu.vector_load %arg4[%parallel_loop3A_260, %parallel_loop3A_261] {strides = array<i32>} : memref<2x49920xi32, #tpu.memory_space<vmem>>, vector<1x16xi32>,
      %parallel_loop3A_263 = vector.shape_cast %parallel_loop3A_262 : vector<1x16xi32> to vector<16xi32>
      %parallel_loop3A_264 = arith.constant 16 : i32
      %parallel_loop3A_265 = arith.muli %parallel_loop3A_254, %parallel_loop3A_264 : i32
      %parallel_loop3A_266 = arith.index_cast %parallel_loop3A_265 : i32 to index
      %parallel_loop3A_267 = tpu.vector_load %arg10[%parallel_loop3A_266] {strides = array<i32>} : memref<4160xi32, #tpu.memory_space<vmem>>, vector<16xi32>,
      %parallel_loop3A_268 = vector.shape_cast %parallel_loop3A_267 : vector<16xi32> to vector<16xi32>
      %parallel_loop3A_269 = vector.shape_cast %parallel_loop3A_263 : vector<16xi32> to vector<16xi32>
      tpu.vector_store %arg10[%parallel_loop3A_266], %parallel_loop3A_269 {strides = array<i32>} : memref<4160xi32, #tpu.memory_space<vmem>>, vector<16xi32>,
    } {sc.loop_unroll_factor = 8 : i64, sc.parallel_access}
    %dma_start3A_106 = arith.constant 0 : i32
    %dma_start3A_107 = tpu.memref_slice %arg14[%dma_start3A_106] : memref<50176xf32, #tpu.memory_space<vmem_shared>> -> memref<50176xf32, #tpu.memory_space<vmem_shared>>
    tpu.enqueue_indirect_dma source(%arg6 : memref<4160xf32, #tpu.memory_space<vmem>>) target(%dma_start3A_107 : memref<50176xf32, #tpu.memory_space<vmem_shared>>) offsets(%arg10 : memref<4160xi32, #tpu.memory_space<vmem>>) semaphore(%arg16 : memref<!tpu.dma_semaphore, #tpu.memory_space<semaphore_mem>>) {add = true}
    %add3A_108 = arith.constant 8320 : i32
    %add3A_109 = arith.addi %multiple_of3A, %add3A_108 : i32
    %dma_wait3A_110 = arith.constant 0 : i32
    %dma_wait3A_111 = arith.constant 8320 : i32
    %dma_wait3A_112 = tpu.memref_slice %arg4[%dma_wait3A_110, %dma_wait3A_111] : memref<2x49920xi32, #tpu.memory_space<vmem>> -> memref<2x8320xi32, #tpu.memory_space<vmem>>
    %dma_wait3A_113 = arith.constant 0 : i32
    %dma_wait3A_114 = tpu.memref_slice %arg2[%dma_wait3A_113, %add3A_109] : memref<2x1600000xi32, #tpu.memory_space<hbm>> -> memref<2x8320xi32, #tpu.memory_space<hbm>>
    %dma_wait3A_115 = arith.constant 0 : i32
    %dma_wait3A_116 = arith.constant 8320 : i32
    %dma_wait3A_117 = tpu.memref_slice %arg4[%dma_wait3A_115, %dma_wait3A_116] : memref<2x49920xi32, #tpu.memory_space<vmem>> -> memref<2x8320xi32, #tpu.memory_space<vmem>>
    %dma_wait3A_118 = arith.constant 0 : i32
    %dma_wait3A_119 = tpu.memref_slice %arg2[%dma_wait3A_118, %add3A_109] : memref<2x1600000xi32, #tpu.memory_space<hbm>> -> memref<2x8320xi32, #tpu.memory_space<hbm>>
    tpu.wait_dma2 semaphore(%arg21 : memref<!tpu.dma_semaphore, #tpu.memory_space<semaphore_mem>>) src(%dma_wait3A_119 : memref<2x8320xi32, #tpu.memory_space<hbm>>) dst(%dma_wait3A_117 : memref<2x8320xi32, #tpu.memory_space<vmem>>)
    %parallel_loop3A_120 = arith.constant 0 : i32
    %parallel_loop3A_121 = arith.constant 260 : i32
    %parallel_loop3A_122 = arith.constant 1 : i32
    scf.for %parallel_loop3A_254 = %parallel_loop3A_120 to %parallel_loop3A_121 step %parallel_loop3A_122  : i32 {
      %parallel_loop3A_255 = arith.constant 16 : i32
      %parallel_loop3A_256 = arith.muli %parallel_loop3A_254, %parallel_loop3A_255 : i32
      %parallel_loop3A_257 = arith.constant 8320 : i32
      %parallel_loop3A_258 = arith.addi %parallel_loop3A_257, %parallel_loop3A_256 : i32
      %parallel_loop3A_259 = arith.constant 1 : i32
      %parallel_loop3A_260 = arith.index_cast %parallel_loop3A_259 : i32 to index
      %parallel_loop3A_261 = arith.index_cast %parallel_loop3A_258 : i32 to index
      %parallel_loop3A_262 = tpu.vector_load %arg4[%parallel_loop3A_260, %parallel_loop3A_261] {strides = array<i32>} : memref<2x49920xi32, #tpu.memory_space<vmem>>, vector<1x16xi32>,
      %parallel_loop3A_263 = vector.shape_cast %parallel_loop3A_262 : vector<1x16xi32> to vector<16xi32>
      %parallel_loop3A_264 = arith.constant 16 : i32
      %parallel_loop3A_265 = arith.muli %parallel_loop3A_254, %parallel_loop3A_264 : i32
      %parallel_loop3A_266 = arith.index_cast %parallel_loop3A_265 : i32 to index
      %parallel_loop3A_267 = tpu.vector_load %arg11[%parallel_loop3A_266] {strides = array<i32>} : memref<4160xi32, #tpu.memory_space<vmem>>, vector<16xi32>,
      %parallel_loop3A_268 = vector.shape_cast %parallel_loop3A_267 : vector<16xi32> to vector<16xi32>
      %parallel_loop3A_269 = vector.shape_cast %parallel_loop3A_263 : vector<16xi32> to vector<16xi32>
      tpu.vector_store %arg11[%parallel_loop3A_266], %parallel_loop3A_269 {strides = array<i32>} : memref<4160xi32, #tpu.memory_space<vmem>>, vector<16xi32>,
    } {sc.loop_unroll_factor = 8 : i64, sc.parallel_access}
    %dma_start3A_123 = arith.constant 0 : i32
    %dma_start3A_124 = tpu.memref_slice %arg14[%dma_start3A_123] : memref<50176xf32, #tpu.memory_space<vmem_shared>> -> memref<50176xf32, #tpu.memory_space<vmem_shared>>
    tpu.enqueue_indirect_dma source(%arg6 : memref<4160xf32, #tpu.memory_space<vmem>>) target(%dma_start3A_124 : memref<50176xf32, #tpu.memory_space<vmem_shared>>) offsets(%arg11 : memref<4160xi32, #tpu.memory_space<vmem>>) semaphore(%arg17 : memref<!tpu.dma_semaphore, #tpu.memory_space<semaphore_mem>>) {add = true}
    %parallel_loop3A_125 = arith.constant 0 : i32
    %parallel_loop3A_126 = arith.constant 260 : i32
    %parallel_loop3A_127 = arith.constant 1 : i32
    scf.for %parallel_loop3A_254 = %parallel_loop3A_125 to %parallel_loop3A_126 step %parallel_loop3A_127  : i32 {
      %parallel_loop3A_255 = arith.constant 16 : i32
      %parallel_loop3A_256 = arith.muli %parallel_loop3A_254, %parallel_loop3A_255 : i32
      %parallel_loop3A_257 = arith.constant 12480 : i32
      %parallel_loop3A_258 = arith.addi %parallel_loop3A_257, %parallel_loop3A_256 : i32
      %parallel_loop3A_259 = arith.constant 1 : i32
      %parallel_loop3A_260 = arith.index_cast %parallel_loop3A_259 : i32 to index
      %parallel_loop3A_261 = arith.index_cast %parallel_loop3A_258 : i32 to index
      %parallel_loop3A_262 = tpu.vector_load %arg4[%parallel_loop3A_260, %parallel_loop3A_261] {strides = array<i32>} : memref<2x49920xi32, #tpu.memory_space<vmem>>, vector<1x16xi32>,
      %parallel_loop3A_263 = vector.shape_cast %parallel_loop3A_262 : vector<1x16xi32> to vector<16xi32>
      %parallel_loop3A_264 = arith.constant 16 : i32
      %parallel_loop3A_265 = arith.muli %parallel_loop3A_254, %parallel_loop3A_264 : i32
      %parallel_loop3A_266 = arith.index_cast %parallel_loop3A_265 : i32 to index
      %parallel_loop3A_267 = tpu.vector_load %arg12[%parallel_loop3A_266] {strides = array<i32>} : memref<4160xi32, #tpu.memory_space<vmem>>, vector<16xi32>,
      %parallel_loop3A_268 = vector.shape_cast %parallel_loop3A_267 : vector<16xi32> to vector<16xi32>
      %parallel_loop3A_269 = vector.shape_cast %parallel_loop3A_263 : vector<16xi32> to vector<16xi32>
      tpu.vector_store %arg12[%parallel_loop3A_266], %parallel_loop3A_269 {strides = array<i32>} : memref<4160xi32, #tpu.memory_space<vmem>>, vector<16xi32>,
    } {sc.loop_unroll_factor = 8 : i64, sc.parallel_access}
    %dma_start3A_128 = arith.constant 0 : i32
    %dma_start3A_129 = tpu.memref_slice %arg14[%dma_start3A_128] : memref<50176xf32, #tpu.memory_space<vmem_shared>> -> memref<50176xf32, #tpu.memory_space<vmem_shared>>
    tpu.enqueue_indirect_dma source(%arg6 : memref<4160xf32, #tpu.memory_space<vmem>>) target(%dma_start3A_129 : memref<50176xf32, #tpu.memory_space<vmem_shared>>) offsets(%arg12 : memref<4160xi32, #tpu.memory_space<vmem>>) semaphore(%arg18 : memref<!tpu.dma_semaphore, #tpu.memory_space<semaphore_mem>>) {add = true}
    %add3A_130 = arith.constant 16640 : i32
    %add3A_131 = arith.addi %multiple_of3A, %add3A_130 : i32
    %dma_wait3A_132 = arith.constant 0 : i32
    %dma_wait3A_133 = arith.constant 16640 : i32
    %dma_wait3A_134 = tpu.memref_slice %arg4[%dma_wait3A_132, %dma_wait3A_133] : memref<2x49920xi32, #tpu.memory_space<vmem>> -> memref<2x8320xi32, #tpu.memory_space<vmem>>
    %dma_wait3A_135 = arith.constant 0 : i32
    %dma_wait3A_136 = tpu.memref_slice %arg2[%dma_wait3A_135, %add3A_131] : memref<2x1600000xi32, #tpu.memory_space<hbm>> -> memref<2x8320xi32, #tpu.memory_space<hbm>>
    %dma_wait3A_137 = arith.constant 0 : i32
    %dma_wait3A_138 = arith.constant 16640 : i32
    %dma_wait3A_139 = tpu.memref_slice %arg4[%dma_wait3A_137, %dma_wait3A_138] : memref<2x49920xi32, #tpu.memory_space<vmem>> -> memref<2x8320xi32, #tpu.memory_space<vmem>>
    %dma_wait3A_140 = arith.constant 0 : i32
    %dma_wait3A_141 = tpu.memref_slice %arg2[%dma_wait3A_140, %add3A_131] : memref<2x1600000xi32, #tpu.memory_space<hbm>> -> memref<2x8320xi32, #tpu.memory_space<hbm>>
    tpu.wait_dma2 semaphore(%arg22 : memref<!tpu.dma_semaphore, #tpu.memory_space<semaphore_mem>>) src(%dma_wait3A_141 : memref<2x8320xi32, #tpu.memory_space<hbm>>) dst(%dma_wait3A_139 : memref<2x8320xi32, #tpu.memory_space<vmem>>)
    %dma_wait3A_142 = arith.constant 0 : i32
    %dma_wait3A_143 = tpu.memref_slice %arg14[%dma_wait3A_142] : memref<50176xf32, #tpu.memory_space<vmem_shared>> -> memref<50176xf32, #tpu.memory_space<vmem_shared>>
    tpu.wait_indirect_dma semaphore(%arg15 : memref<!tpu.dma_semaphore, #tpu.memory_space<semaphore_mem>>) src(%arg6 : memref<4160xf32, #tpu.memory_space<vmem>>) dst(%dma_wait3A_143 : memref<50176xf32, #tpu.memory_space<vmem_shared>>)
    %parallel_loop3A_144 = arith.constant 0 : i32
    %parallel_loop3A_145 = arith.constant 260 : i32
    %parallel_loop3A_146 = arith.constant 1 : i32
    scf.for %parallel_loop3A_254 = %parallel_loop3A_144 to %parallel_loop3A_145 step %parallel_loop3A_146  : i32 {
      %parallel_loop3A_255 = arith.constant 16 : i32
      %parallel_loop3A_256 = arith.muli %parallel_loop3A_254, %parallel_loop3A_255 : i32
      %parallel_loop3A_257 = arith.constant 16640 : i32
      %parallel_loop3A_258 = arith.addi %parallel_loop3A_257, %parallel_loop3A_256 : i32
      %parallel_loop3A_259 = arith.constant 1 : i32
      %parallel_loop3A_260 = arith.index_cast %parallel_loop3A_259 : i32 to index
      %parallel_loop3A_261 = arith.index_cast %parallel_loop3A_258 : i32 to index
      %parallel_loop3A_262 = tpu.vector_load %arg4[%parallel_loop3A_260, %parallel_loop3A_261] {strides = array<i32>} : memref<2x49920xi32, #tpu.memory_space<vmem>>, vector<1x16xi32>,
      %parallel_loop3A_263 = vector.shape_cast %parallel_loop3A_262 : vector<1x16xi32> to vector<16xi32>
      %parallel_loop3A_264 = arith.constant 16 : i32
      %parallel_loop3A_265 = arith.muli %parallel_loop3A_254, %parallel_loop3A_264 : i32
      %parallel_loop3A_266 = arith.index_cast %parallel_loop3A_265 : i32 to index
      %parallel_loop3A_267 = tpu.vector_load %arg9[%parallel_loop3A_266] {strides = array<i32>} : memref<4160xi32, #tpu.memory_space<vmem>>, vector<16xi32>,
      %parallel_loop3A_268 = vector.shape_cast %parallel_loop3A_267 : vector<16xi32> to vector<16xi32>
      %parallel_loop3A_269 = vector.shape_cast %parallel_loop3A_263 : vector<16xi32> to vector<16xi32>
      tpu.vector_store %arg9[%parallel_loop3A_266], %parallel_loop3A_269 {strides = array<i32>} : memref<4160xi32, #tpu.memory_space<vmem>>, vector<16xi32>,
    } {sc.loop_unroll_factor = 8 : i64, sc.parallel_access}
    %dma_start3A_147 = arith.constant 0 : i32
    %dma_start3A_148 = tpu.memref_slice %arg14[%dma_start3A_147] : memref<50176xf32, #tpu.memory_space<vmem_shared>> -> memref<50176xf32, #tpu.memory_space<vmem_shared>>
    tpu.enqueue_indirect_dma source(%arg6 : memref<4160xf32, #tpu.memory_space<vmem>>) target(%dma_start3A_148 : memref<50176xf32, #tpu.memory_space<vmem_shared>>) offsets(%arg9 : memref<4160xi32, #tpu.memory_space<vmem>>) semaphore(%arg15 : memref<!tpu.dma_semaphore, #tpu.memory_space<semaphore_mem>>) {add = true}
    %dma_wait3A_149 = arith.constant 0 : i32
    %dma_wait3A_150 = tpu.memref_slice %arg14[%dma_wait3A_149] : memref<50176xf32, #tpu.memory_space<vmem_shared>> -> memref<50176xf32, #tpu.memory_space<vmem_shared>>
    tpu.wait_indirect_dma semaphore(%arg16 : memref<!tpu.dma_semaphore, #tpu.memory_space<semaphore_mem>>) src(%arg6 : memref<4160xf32, #tpu.memory_space<vmem>>) dst(%dma_wait3A_150 : memref<50176xf32, #tpu.memory_space<vmem_shared>>)
    %parallel_loop3A_151 = arith.constant 0 : i32
    %parallel_loop3A_152 = arith.constant 260 : i32
    %parallel_loop3A_153 = arith.constant 1 : i32
    scf.for %parallel_loop3A_254 = %parallel_loop3A_151 to %parallel_loop3A_152 step %parallel_loop3A_153  : i32 {
      %parallel_loop3A_255 = arith.constant 16 : i32
      %parallel_loop3A_256 = arith.muli %parallel_loop3A_254, %parallel_loop3A_255 : i32
      %parallel_loop3A_257 = arith.constant 20800 : i32
      %parallel_loop3A_258 = arith.addi %parallel_loop3A_257, %parallel_loop3A_256 : i32
      %parallel_loop3A_259 = arith.constant 1 : i32
      %parallel_loop3A_260 = arith.index_cast %parallel_loop3A_259 : i32 to index
      %parallel_loop3A_261 = arith.index_cast %parallel_loop3A_258 : i32 to index
      %parallel_loop3A_262 = tpu.vector_load %arg4[%parallel_loop3A_260, %parallel_loop3A_261] {strides = array<i32>} : memref<2x49920xi32, #tpu.memory_space<vmem>>, vector<1x16xi32>,
      %parallel_loop3A_263 = vector.shape_cast %parallel_loop3A_262 : vector<1x16xi32> to vector<16xi32>
      %parallel_loop3A_264 = arith.constant 16 : i32
      %parallel_loop3A_265 = arith.muli %parallel_loop3A_254, %parallel_loop3A_264 : i32
      %parallel_loop3A_266 = arith.index_cast %parallel_loop3A_265 : i32 to index
      %parallel_loop3A_267 = tpu.vector_load %arg10[%parallel_loop3A_266] {strides = array<i32>} : memref<4160xi32, #tpu.memory_space<vmem>>, vector<16xi32>,
      %parallel_loop3A_268 = vector.shape_cast %parallel_loop3A_267 : vector<16xi32> to vector<16xi32>
      %parallel_loop3A_269 = vector.shape_cast %parallel_loop3A_263 : vector<16xi32> to vector<16xi32>
      tpu.vector_store %arg10[%parallel_loop3A_266], %parallel_loop3A_269 {strides = array<i32>} : memref<4160xi32, #tpu.memory_space<vmem>>, vector<16xi32>,
    } {sc.loop_unroll_factor = 8 : i64, sc.parallel_access}
    %dma_start3A_154 = arith.constant 0 : i32
    %dma_start3A_155 = tpu.memref_slice %arg14[%dma_start3A_154] : memref<50176xf32, #tpu.memory_space<vmem_shared>> -> memref<50176xf32, #tpu.memory_space<vmem_shared>>
    tpu.enqueue_indirect_dma source(%arg6 : memref<4160xf32, #tpu.memory_space<vmem>>) target(%dma_start3A_155 : memref<50176xf32, #tpu.memory_space<vmem_shared>>) offsets(%arg10 : memref<4160xi32, #tpu.memory_space<vmem>>) semaphore(%arg16 : memref<!tpu.dma_semaphore, #tpu.memory_space<semaphore_mem>>) {add = true}
    %add3A_156 = arith.constant 24960 : i32
    %add3A_157 = arith.addi %multiple_of3A, %add3A_156 : i32
    %dma_wait3A_158 = arith.constant 0 : i32
    %dma_wait3A_159 = arith.constant 24960 : i32
    %dma_wait3A_160 = tpu.memref_slice %arg4[%dma_wait3A_158, %dma_wait3A_159] : memref<2x49920xi32, #tpu.memory_space<vmem>> -> memref<2x8320xi32, #tpu.memory_space<vmem>>
    %dma_wait3A_161 = arith.constant 0 : i32
    %dma_wait3A_162 = tpu.memref_slice %arg2[%dma_wait3A_161, %add3A_157] : memref<2x1600000xi32, #tpu.memory_space<hbm>> -> memref<2x8320xi32, #tpu.memory_space<hbm>>
    %dma_wait3A_163 = arith.constant 0 : i32
    %dma_wait3A_164 = arith.constant 24960 : i32
    %dma_wait3A_165 = tpu.memref_slice %arg4[%dma_wait3A_163, %dma_wait3A_164] : memref<2x49920xi32, #tpu.memory_space<vmem>> -> memref<2x8320xi32, #tpu.memory_space<vmem>>
    %dma_wait3A_166 = arith.constant 0 : i32
    %dma_wait3A_167 = tpu.memref_slice %arg2[%dma_wait3A_166, %add3A_157] : memref<2x1600000xi32, #tpu.memory_space<hbm>> -> memref<2x8320xi32, #tpu.memory_space<hbm>>
    tpu.wait_dma2 semaphore(%arg23 : memref<!tpu.dma_semaphore, #tpu.memory_space<semaphore_mem>>) src(%dma_wait3A_167 : memref<2x8320xi32, #tpu.memory_space<hbm>>) dst(%dma_wait3A_165 : memref<2x8320xi32, #tpu.memory_space<vmem>>)
    %dma_wait3A_168 = arith.constant 0 : i32
    %dma_wait3A_169 = tpu.memref_slice %arg14[%dma_wait3A_168] : memref<50176xf32, #tpu.memory_space<vmem_shared>> -> memref<50176xf32, #tpu.memory_space<vmem_shared>>
    tpu.wait_indirect_dma semaphore(%arg17 : memref<!tpu.dma_semaphore, #tpu.memory_space<semaphore_mem>>) src(%arg6 : memref<4160xf32, #tpu.memory_space<vmem>>) dst(%dma_wait3A_169 : memref<50176xf32, #tpu.memory_space<vmem_shared>>)
    %parallel_loop3A_170 = arith.constant 0 : i32
    %parallel_loop3A_171 = arith.constant 260 : i32
    %parallel_loop3A_172 = arith.constant 1 : i32
    scf.for %parallel_loop3A_254 = %parallel_loop3A_170 to %parallel_loop3A_171 step %parallel_loop3A_172  : i32 {
      %parallel_loop3A_255 = arith.constant 16 : i32
      %parallel_loop3A_256 = arith.muli %parallel_loop3A_254, %parallel_loop3A_255 : i32
      %parallel_loop3A_257 = arith.constant 24960 : i32
      %parallel_loop3A_258 = arith.addi %parallel_loop3A_257, %parallel_loop3A_256 : i32
      %parallel_loop3A_259 = arith.constant 1 : i32
      %parallel_loop3A_260 = arith.index_cast %parallel_loop3A_259 : i32 to index
      %parallel_loop3A_261 = arith.index_cast %parallel_loop3A_258 : i32 to index
      %parallel_loop3A_262 = tpu.vector_load %arg4[%parallel_loop3A_260, %parallel_loop3A_261] {strides = array<i32>} : memref<2x49920xi32, #tpu.memory_space<vmem>>, vector<1x16xi32>,
      %parallel_loop3A_263 = vector.shape_cast %parallel_loop3A_262 : vector<1x16xi32> to vector<16xi32>
      %parallel_loop3A_264 = arith.constant 16 : i32
      %parallel_loop3A_265 = arith.muli %parallel_loop3A_254, %parallel_loop3A_264 : i32
      %parallel_loop3A_266 = arith.index_cast %parallel_loop3A_265 : i32 to index
      %parallel_loop3A_267 = tpu.vector_load %arg11[%parallel_loop3A_266] {strides = array<i32>} : memref<4160xi32, #tpu.memory_space<vmem>>, vector<16xi32>,
      %parallel_loop3A_268 = vector.shape_cast %parallel_loop3A_267 : vector<16xi32> to vector<16xi32>
      %parallel_loop3A_269 = vector.shape_cast %parallel_loop3A_263 : vector<16xi32> to vector<16xi32>
      tpu.vector_store %arg11[%parallel_loop3A_266], %parallel_loop3A_269 {strides = array<i32>} : memref<4160xi32, #tpu.memory_space<vmem>>, vector<16xi32>,
    } {sc.loop_unroll_factor = 8 : i64, sc.parallel_access}
    %dma_start3A_173 = arith.constant 0 : i32
    %dma_start3A_174 = tpu.memref_slice %arg14[%dma_start3A_173] : memref<50176xf32, #tpu.memory_space<vmem_shared>> -> memref<50176xf32, #tpu.memory_space<vmem_shared>>
    tpu.enqueue_indirect_dma source(%arg6 : memref<4160xf32, #tpu.memory_space<vmem>>) target(%dma_start3A_174 : memref<50176xf32, #tpu.memory_space<vmem_shared>>) offsets(%arg11 : memref<4160xi32, #tpu.memory_space<vmem>>) semaphore(%arg17 : memref<!tpu.dma_semaphore, #tpu.memory_space<semaphore_mem>>) {add = true}
    %dma_wait3A_175 = arith.constant 0 : i32
    %dma_wait3A_176 = tpu.memref_slice %arg14[%dma_wait3A_175] : memref<50176xf32, #tpu.memory_space<vmem_shared>> -> memref<50176xf32, #tpu.memory_space<vmem_shared>>
    tpu.wait_indirect_dma semaphore(%arg18 : memref<!tpu.dma_semaphore, #tpu.memory_space<semaphore_mem>>) src(%arg6 : memref<4160xf32, #tpu.memory_space<vmem>>) dst(%dma_wait3A_176 : memref<50176xf32, #tpu.memory_space<vmem_shared>>)
    %parallel_loop3A_177 = arith.constant 0 : i32
    %parallel_loop3A_178 = arith.constant 260 : i32
    %parallel_loop3A_179 = arith.constant 1 : i32
    scf.for %parallel_loop3A_254 = %parallel_loop3A_177 to %parallel_loop3A_178 step %parallel_loop3A_179  : i32 {
      %parallel_loop3A_255 = arith.constant 16 : i32
      %parallel_loop3A_256 = arith.muli %parallel_loop3A_254, %parallel_loop3A_255 : i32
      %parallel_loop3A_257 = arith.constant 29120 : i32
      %parallel_loop3A_258 = arith.addi %parallel_loop3A_257, %parallel_loop3A_256 : i32
      %parallel_loop3A_259 = arith.constant 1 : i32
      %parallel_loop3A_260 = arith.index_cast %parallel_loop3A_259 : i32 to index
      %parallel_loop3A_261 = arith.index_cast %parallel_loop3A_258 : i32 to index
      %parallel_loop3A_262 = tpu.vector_load %arg4[%parallel_loop3A_260, %parallel_loop3A_261] {strides = array<i32>} : memref<2x49920xi32, #tpu.memory_space<vmem>>, vector<1x16xi32>,
      %parallel_loop3A_263 = vector.shape_cast %parallel_loop3A_262 : vector<1x16xi32> to vector<16xi32>
      %parallel_loop3A_264 = arith.constant 16 : i32
      %parallel_loop3A_265 = arith.muli %parallel_loop3A_254, %parallel_loop3A_264 : i32
      %parallel_loop3A_266 = arith.index_cast %parallel_loop3A_265 : i32 to index
      %parallel_loop3A_267 = tpu.vector_load %arg12[%parallel_loop3A_266] {strides = array<i32>} : memref<4160xi32, #tpu.memory_space<vmem>>, vector<16xi32>,
      %parallel_loop3A_268 = vector.shape_cast %parallel_loop3A_267 : vector<16xi32> to vector<16xi32>
      %parallel_loop3A_269 = vector.shape_cast %parallel_loop3A_263 : vector<16xi32> to vector<16xi32>
      tpu.vector_store %arg12[%parallel_loop3A_266], %parallel_loop3A_269 {strides = array<i32>} : memref<4160xi32, #tpu.memory_space<vmem>>, vector<16xi32>,
    } {sc.loop_unroll_factor = 8 : i64, sc.parallel_access}
    %dma_start3A_180 = arith.constant 0 : i32
    %dma_start3A_181 = tpu.memref_slice %arg14[%dma_start3A_180] : memref<50176xf32, #tpu.memory_space<vmem_shared>> -> memref<50176xf32, #tpu.memory_space<vmem_shared>>
    tpu.enqueue_indirect_dma source(%arg6 : memref<4160xf32, #tpu.memory_space<vmem>>) target(%dma_start3A_181 : memref<50176xf32, #tpu.memory_space<vmem_shared>>) offsets(%arg12 : memref<4160xi32, #tpu.memory_space<vmem>>) semaphore(%arg18 : memref<!tpu.dma_semaphore, #tpu.memory_space<semaphore_mem>>) {add = true}
    %add3A_182 = arith.constant 33280 : i32
    %add3A_183 = arith.addi %multiple_of3A, %add3A_182 : i32
    %dma_wait3A_184 = arith.constant 0 : i32
    %dma_wait3A_185 = arith.constant 33280 : i32
    %dma_wait3A_186 = tpu.memref_slice %arg4[%dma_wait3A_184, %dma_wait3A_185] : memref<2x49920xi32, #tpu.memory_space<vmem>> -> memref<2x8320xi32, #tpu.memory_space<vmem>>
    %dma_wait3A_187 = arith.constant 0 : i32
    %dma_wait3A_188 = tpu.memref_slice %arg2[%dma_wait3A_187, %add3A_183] : memref<2x1600000xi32, #tpu.memory_space<hbm>> -> memref<2x8320xi32, #tpu.memory_space<hbm>>
    %dma_wait3A_189 = arith.constant 0 : i32
    %dma_wait3A_190 = arith.constant 33280 : i32
    %dma_wait3A_191 = tpu.memref_slice %arg4[%dma_wait3A_189, %dma_wait3A_190] : memref<2x49920xi32, #tpu.memory_space<vmem>> -> memref<2x8320xi32, #tpu.memory_space<vmem>>
    %dma_wait3A_192 = arith.constant 0 : i32
    %dma_wait3A_193 = tpu.memref_slice %arg2[%dma_wait3A_192, %add3A_183] : memref<2x1600000xi32, #tpu.memory_space<hbm>> -> memref<2x8320xi32, #tpu.memory_space<hbm>>
    tpu.wait_dma2 semaphore(%arg24 : memref<!tpu.dma_semaphore, #tpu.memory_space<semaphore_mem>>) src(%dma_wait3A_193 : memref<2x8320xi32, #tpu.memory_space<hbm>>) dst(%dma_wait3A_191 : memref<2x8320xi32, #tpu.memory_space<vmem>>)
    %dma_wait3A_194 = arith.constant 0 : i32
    %dma_wait3A_195 = tpu.memref_slice %arg14[%dma_wait3A_194] : memref<50176xf32, #tpu.memory_space<vmem_shared>> -> memref<50176xf32, #tpu.memory_space<vmem_shared>>
    tpu.wait_indirect_dma semaphore(%arg15 : memref<!tpu.dma_semaphore, #tpu.memory_space<semaphore_mem>>) src(%arg6 : memref<4160xf32, #tpu.memory_space<vmem>>) dst(%dma_wait3A_195 : memref<50176xf32, #tpu.memory_space<vmem_shared>>)
    %parallel_loop3A_196 = arith.constant 0 : i32
    %parallel_loop3A_197 = arith.constant 260 : i32
    %parallel_loop3A_198 = arith.constant 1 : i32
    scf.for %parallel_loop3A_254 = %parallel_loop3A_196 to %parallel_loop3A_197 step %parallel_loop3A_198  : i32 {
      %parallel_loop3A_255 = arith.constant 16 : i32
      %parallel_loop3A_256 = arith.muli %parallel_loop3A_254, %parallel_loop3A_255 : i32
      %parallel_loop3A_257 = arith.constant 33280 : i32
      %parallel_loop3A_258 = arith.addi %parallel_loop3A_257, %parallel_loop3A_256 : i32
      %parallel_loop3A_259 = arith.constant 1 : i32
      %parallel_loop3A_260 = arith.index_cast %parallel_loop3A_259 : i32 to index
      %parallel_loop3A_261 = arith.index_cast %parallel_loop3A_258 : i32 to index
      %parallel_loop3A_262 = tpu.vector_load %arg4[%parallel_loop3A_260, %parallel_loop3A_261] {strides = array<i32>} : memref<2x49920xi32, #tpu.memory_space<vmem>>, vector<1x16xi32>,
      %parallel_loop3A_263 = vector.shape_cast %parallel_loop3A_262 : vector<1x16xi32> to vector<16xi32>
      %parallel_loop3A_264 = arith.constant 16 : i32
      %parallel_loop3A_265 = arith.muli %parallel_loop3A_254, %parallel_loop3A_264 : i32
      %parallel_loop3A_266 = arith.index_cast %parallel_loop3A_265 : i32 to index
      %parallel_loop3A_267 = tpu.vector_load %arg9[%parallel_loop3A_266] {strides = array<i32>} : memref<4160xi32, #tpu.memory_space<vmem>>, vector<16xi32>,
      %parallel_loop3A_268 = vector.shape_cast %parallel_loop3A_267 : vector<16xi32> to vector<16xi32>
      %parallel_loop3A_269 = vector.shape_cast %parallel_loop3A_263 : vector<16xi32> to vector<16xi32>
      tpu.vector_store %arg9[%parallel_loop3A_266], %parallel_loop3A_269 {strides = array<i32>} : memref<4160xi32, #tpu.memory_space<vmem>>, vector<16xi32>,
    } {sc.loop_unroll_factor = 8 : i64, sc.parallel_access}
    %dma_start3A_199 = arith.constant 0 : i32
    %dma_start3A_200 = tpu.memref_slice %arg14[%dma_start3A_199] : memref<50176xf32, #tpu.memory_space<vmem_shared>> -> memref<50176xf32, #tpu.memory_space<vmem_shared>>
    tpu.enqueue_indirect_dma source(%arg6 : memref<4160xf32, #tpu.memory_space<vmem>>) target(%dma_start3A_200 : memref<50176xf32, #tpu.memory_space<vmem_shared>>) offsets(%arg9 : memref<4160xi32, #tpu.memory_space<vmem>>) semaphore(%arg15 : memref<!tpu.dma_semaphore, #tpu.memory_space<semaphore_mem>>) {add = true}
    %dma_wait3A_201 = arith.constant 0 : i32
    %dma_wait3A_202 = tpu.memref_slice %arg14[%dma_wait3A_201] : memref<50176xf32, #tpu.memory_space<vmem_shared>> -> memref<50176xf32, #tpu.memory_space<vmem_shared>>
    tpu.wait_indirect_dma semaphore(%arg16 : memref<!tpu.dma_semaphore, #tpu.memory_space<semaphore_mem>>) src(%arg6 : memref<4160xf32, #tpu.memory_space<vmem>>) dst(%dma_wait3A_202 : memref<50176xf32, #tpu.memory_space<vmem_shared>>)
    %parallel_loop3A_203 = arith.constant 0 : i32
    %parallel_loop3A_204 = arith.constant 260 : i32
    %parallel_loop3A_205 = arith.constant 1 : i32
    scf.for %parallel_loop3A_254 = %parallel_loop3A_203 to %parallel_loop3A_204 step %parallel_loop3A_205  : i32 {
      %parallel_loop3A_255 = arith.constant 16 : i32
      %parallel_loop3A_256 = arith.muli %parallel_loop3A_254, %parallel_loop3A_255 : i32
      %parallel_loop3A_257 = arith.constant 37440 : i32
      %parallel_loop3A_258 = arith.addi %parallel_loop3A_257, %parallel_loop3A_256 : i32
      %parallel_loop3A_259 = arith.constant 1 : i32
      %parallel_loop3A_260 = arith.index_cast %parallel_loop3A_259 : i32 to index
      %parallel_loop3A_261 = arith.index_cast %parallel_loop3A_258 : i32 to index
      %parallel_loop3A_262 = tpu.vector_load %arg4[%parallel_loop3A_260, %parallel_loop3A_261] {strides = array<i32>} : memref<2x49920xi32, #tpu.memory_space<vmem>>, vector<1x16xi32>,
      %parallel_loop3A_263 = vector.shape_cast %parallel_loop3A_262 : vector<1x16xi32> to vector<16xi32>
      %parallel_loop3A_264 = arith.constant 16 : i32
      %parallel_loop3A_265 = arith.muli %parallel_loop3A_254, %parallel_loop3A_264 : i32
      %parallel_loop3A_266 = arith.index_cast %parallel_loop3A_265 : i32 to index
      %parallel_loop3A_267 = tpu.vector_load %arg10[%parallel_loop3A_266] {strides = array<i32>} : memref<4160xi32, #tpu.memory_space<vmem>>, vector<16xi32>,
      %parallel_loop3A_268 = vector.shape_cast %parallel_loop3A_267 : vector<16xi32> to vector<16xi32>
      %parallel_loop3A_269 = vector.shape_cast %parallel_loop3A_263 : vector<16xi32> to vector<16xi32>
      tpu.vector_store %arg10[%parallel_loop3A_266], %parallel_loop3A_269 {strides = array<i32>} : memref<4160xi32, #tpu.memory_space<vmem>>, vector<16xi32>,
    } {sc.loop_unroll_factor = 8 : i64, sc.parallel_access}
    %dma_start3A_206 = arith.constant 0 : i32
    %dma_start3A_207 = tpu.memref_slice %arg14[%dma_start3A_206] : memref<50176xf32, #tpu.memory_space<vmem_shared>> -> memref<50176xf32, #tpu.memory_space<vmem_shared>>
    tpu.enqueue_indirect_dma source(%arg6 : memref<4160xf32, #tpu.memory_space<vmem>>) target(%dma_start3A_207 : memref<50176xf32, #tpu.memory_space<vmem_shared>>) offsets(%arg10 : memref<4160xi32, #tpu.memory_space<vmem>>) semaphore(%arg16 : memref<!tpu.dma_semaphore, #tpu.memory_space<semaphore_mem>>) {add = true}
    %add3A_208 = arith.constant 41600 : i32
    %add3A_209 = arith.addi %multiple_of3A, %add3A_208 : i32
    %dma_wait3A_210 = arith.constant 0 : i32
    %dma_wait3A_211 = arith.constant 41600 : i32
    %dma_wait3A_212 = tpu.memref_slice %arg4[%dma_wait3A_210, %dma_wait3A_211] : memref<2x49920xi32, #tpu.memory_space<vmem>> -> memref<2x8320xi32, #tpu.memory_space<vmem>>
    %dma_wait3A_213 = arith.constant 0 : i32
    %dma_wait3A_214 = tpu.memref_slice %arg2[%dma_wait3A_213, %add3A_209] : memref<2x1600000xi32, #tpu.memory_space<hbm>> -> memref<2x8320xi32, #tpu.memory_space<hbm>>
    %dma_wait3A_215 = arith.constant 0 : i32
    %dma_wait3A_216 = arith.constant 41600 : i32
    %dma_wait3A_217 = tpu.memref_slice %arg4[%dma_wait3A_215, %dma_wait3A_216] : memref<2x49920xi32, #tpu.memory_space<vmem>> -> memref<2x8320xi32, #tpu.memory_space<vmem>>
    %dma_wait3A_218 = arith.constant 0 : i32
    %dma_wait3A_219 = tpu.memref_slice %arg2[%dma_wait3A_218, %add3A_209] : memref<2x1600000xi32, #tpu.memory_space<hbm>> -> memref<2x8320xi32, #tpu.memory_space<hbm>>
    tpu.wait_dma2 semaphore(%arg25 : memref<!tpu.dma_semaphore, #tpu.memory_space<semaphore_mem>>) src(%dma_wait3A_219 : memref<2x8320xi32, #tpu.memory_space<hbm>>) dst(%dma_wait3A_217 : memref<2x8320xi32, #tpu.memory_space<vmem>>)
    %dma_wait3A_220 = arith.constant 0 : i32
    %dma_wait3A_221 = tpu.memref_slice %arg14[%dma_wait3A_220] : memref<50176xf32, #tpu.memory_space<vmem_shared>> -> memref<50176xf32, #tpu.memory_space<vmem_shared>>
    tpu.wait_indirect_dma semaphore(%arg17 : memref<!tpu.dma_semaphore, #tpu.memory_space<semaphore_mem>>) src(%arg6 : memref<4160xf32, #tpu.memory_space<vmem>>) dst(%dma_wait3A_221 : memref<50176xf32, #tpu.memory_space<vmem_shared>>)
    %parallel_loop3A_222 = arith.constant 0 : i32
    %parallel_loop3A_223 = arith.constant 260 : i32
    %parallel_loop3A_224 = arith.constant 1 : i32
    scf.for %parallel_loop3A_254 = %parallel_loop3A_222 to %parallel_loop3A_223 step %parallel_loop3A_224  : i32 {
      %parallel_loop3A_255 = arith.constant 16 : i32
      %parallel_loop3A_256 = arith.muli %parallel_loop3A_254, %parallel_loop3A_255 : i32
      %parallel_loop3A_257 = arith.constant 41600 : i32
      %parallel_loop3A_258 = arith.addi %parallel_loop3A_257, %parallel_loop3A_256 : i32
      %parallel_loop3A_259 = arith.constant 1 : i32
      %parallel_loop3A_260 = arith.index_cast %parallel_loop3A_259 : i32 to index
      %parallel_loop3A_261 = arith.index_cast %parallel_loop3A_258 : i32 to index
      %parallel_loop3A_262 = tpu.vector_load %arg4[%parallel_loop3A_260, %parallel_loop3A_261] {strides = array<i32>} : memref<2x49920xi32, #tpu.memory_space<vmem>>, vector<1x16xi32>,
      %parallel_loop3A_263 = vector.shape_cast %parallel_loop3A_262 : vector<1x16xi32> to vector<16xi32>
      %parallel_loop3A_264 = arith.constant 16 : i32
      %parallel_loop3A_265 = arith.muli %parallel_loop3A_254, %parallel_loop3A_264 : i32
      %parallel_loop3A_266 = arith.index_cast %parallel_loop3A_265 : i32 to index
      %parallel_loop3A_267 = tpu.vector_load %arg11[%parallel_loop3A_266] {strides = array<i32>} : memref<4160xi32, #tpu.memory_space<vmem>>, vector<16xi32>,
      %parallel_loop3A_268 = vector.shape_cast %parallel_loop3A_267 : vector<16xi32> to vector<16xi32>
      %parallel_loop3A_269 = vector.shape_cast %parallel_loop3A_263 : vector<16xi32> to vector<16xi32>
      tpu.vector_store %arg11[%parallel_loop3A_266], %parallel_loop3A_269 {strides = array<i32>} : memref<4160xi32, #tpu.memory_space<vmem>>, vector<16xi32>,
    } {sc.loop_unroll_factor = 8 : i64, sc.parallel_access}
    %dma_start3A_225 = arith.constant 0 : i32
    %dma_start3A_226 = tpu.memref_slice %arg14[%dma_start3A_225] : memref<50176xf32, #tpu.memory_space<vmem_shared>> -> memref<50176xf32, #tpu.memory_space<vmem_shared>>
    tpu.enqueue_indirect_dma source(%arg6 : memref<4160xf32, #tpu.memory_space<vmem>>) target(%dma_start3A_226 : memref<50176xf32, #tpu.memory_space<vmem_shared>>) offsets(%arg11 : memref<4160xi32, #tpu.memory_space<vmem>>) semaphore(%arg17 : memref<!tpu.dma_semaphore, #tpu.memory_space<semaphore_mem>>) {add = true}
    %dma_wait3A_227 = arith.constant 0 : i32
    %dma_wait3A_228 = tpu.memref_slice %arg14[%dma_wait3A_227] : memref<50176xf32, #tpu.memory_space<vmem_shared>> -> memref<50176xf32, #tpu.memory_space<vmem_shared>>
    tpu.wait_indirect_dma semaphore(%arg18 : memref<!tpu.dma_semaphore, #tpu.memory_space<semaphore_mem>>) src(%arg6 : memref<4160xf32, #tpu.memory_space<vmem>>) dst(%dma_wait3A_228 : memref<50176xf32, #tpu.memory_space<vmem_shared>>)
    %parallel_loop3A_229 = arith.constant 0 : i32
    %parallel_loop3A_230 = arith.constant 260 : i32
    %parallel_loop3A_231 = arith.constant 1 : i32
    scf.for %parallel_loop3A_254 = %parallel_loop3A_229 to %parallel_loop3A_230 step %parallel_loop3A_231  : i32 {
      %parallel_loop3A_255 = arith.constant 16 : i32
      %parallel_loop3A_256 = arith.muli %parallel_loop3A_254, %parallel_loop3A_255 : i32
      %parallel_loop3A_257 = arith.constant 45760 : i32
      %parallel_loop3A_258 = arith.addi %parallel_loop3A_257, %parallel_loop3A_256 : i32
      %parallel_loop3A_259 = arith.constant 1 : i32
      %parallel_loop3A_260 = arith.index_cast %parallel_loop3A_259 : i32 to index
      %parallel_loop3A_261 = arith.index_cast %parallel_loop3A_258 : i32 to index
      %parallel_loop3A_262 = tpu.vector_load %arg4[%parallel_loop3A_260, %parallel_loop3A_261] {strides = array<i32>} : memref<2x49920xi32, #tpu.memory_space<vmem>>, vector<1x16xi32>,
      %parallel_loop3A_263 = vector.shape_cast %parallel_loop3A_262 : vector<1x16xi32> to vector<16xi32>
      %parallel_loop3A_264 = arith.constant 16 : i32
      %parallel_loop3A_265 = arith.muli %parallel_loop3A_254, %parallel_loop3A_264 : i32
      %parallel_loop3A_266 = arith.index_cast %parallel_loop3A_265 : i32 to index
      %parallel_loop3A_267 = tpu.vector_load %arg12[%parallel_loop3A_266] {strides = array<i32>} : memref<4160xi32, #tpu.memory_space<vmem>>, vector<16xi32>,
      %parallel_loop3A_268 = vector.shape_cast %parallel_loop3A_267 : vector<16xi32> to vector<16xi32>
      %parallel_loop3A_269 = vector.shape_cast %parallel_loop3A_263 : vector<16xi32> to vector<16xi32>
      tpu.vector_store %arg12[%parallel_loop3A_266], %parallel_loop3A_269 {strides = array<i32>} : memref<4160xi32, #tpu.memory_space<vmem>>, vector<16xi32>,
    } {sc.loop_unroll_factor = 8 : i64, sc.parallel_access}
    %dma_start3A_232 = arith.constant 0 : i32
    %dma_start3A_233 = tpu.memref_slice %arg14[%dma_start3A_232] : memref<50176xf32, #tpu.memory_space<vmem_shared>> -> memref<50176xf32, #tpu.memory_space<vmem_shared>>
    tpu.enqueue_indirect_dma source(%arg6 : memref<4160xf32, #tpu.memory_space<vmem>>) target(%dma_start3A_233 : memref<50176xf32, #tpu.memory_space<vmem_shared>>) offsets(%arg12 : memref<4160xi32, #tpu.memory_space<vmem>>) semaphore(%arg18 : memref<!tpu.dma_semaphore, #tpu.memory_space<semaphore_mem>>) {add = true}
    %dma_wait3A_234 = arith.constant 0 : i32
    %dma_wait3A_235 = tpu.memref_slice %arg14[%dma_wait3A_234] : memref<50176xf32, #tpu.memory_space<vmem_shared>> -> memref<50176xf32, #tpu.memory_space<vmem_shared>>
    tpu.wait_indirect_dma semaphore(%arg15 : memref<!tpu.dma_semaphore, #tpu.memory_space<semaphore_mem>>) src(%arg6 : memref<4160xf32, #tpu.memory_space<vmem>>) dst(%dma_wait3A_235 : memref<50176xf32, #tpu.memory_space<vmem_shared>>)
    %dma_wait3A_236 = arith.constant 0 : i32
    %dma_wait3A_237 = tpu.memref_slice %arg14[%dma_wait3A_236] : memref<50176xf32, #tpu.memory_space<vmem_shared>> -> memref<50176xf32, #tpu.memory_space<vmem_shared>>
    tpu.wait_indirect_dma semaphore(%arg16 : memref<!tpu.dma_semaphore, #tpu.memory_space<semaphore_mem>>) src(%arg6 : memref<4160xf32, #tpu.memory_space<vmem>>) dst(%dma_wait3A_237 : memref<50176xf32, #tpu.memory_space<vmem_shared>>)
    %dma_wait3A_238 = arith.constant 0 : i32
    %dma_wait3A_239 = tpu.memref_slice %arg14[%dma_wait3A_238] : memref<50176xf32, #tpu.memory_space<vmem_shared>> -> memref<50176xf32, #tpu.memory_space<vmem_shared>>
    tpu.wait_indirect_dma semaphore(%arg17 : memref<!tpu.dma_semaphore, #tpu.memory_space<semaphore_mem>>) src(%arg6 : memref<4160xf32, #tpu.memory_space<vmem>>) dst(%dma_wait3A_239 : memref<50176xf32, #tpu.memory_space<vmem_shared>>)
    %dma_wait3A_240 = arith.constant 0 : i32
    %dma_wait3A_241 = tpu.memref_slice %arg14[%dma_wait3A_240] : memref<50176xf32, #tpu.memory_space<vmem_shared>> -> memref<50176xf32, #tpu.memory_space<vmem_shared>>
    tpu.wait_indirect_dma semaphore(%arg18 : memref<!tpu.dma_semaphore, #tpu.memory_space<semaphore_mem>>) src(%arg6 : memref<4160xf32, #tpu.memory_space<vmem>>) dst(%dma_wait3A_241 : memref<50176xf32, #tpu.memory_space<vmem_shared>>)
    %lt3A_242 = arith.constant 20 : i32
    %lt3A_243 = arith.cmpi slt, %add3A, %lt3A_242 : i32
    %convert_element_type3A_244 = arith.extui %lt3A_243 : i1 to i32
    %cond3A_245 = arith.constant 0 : i32
    %cond3A_246 = arith.cmpi ne, %convert_element_type3A_244, %cond3A_245 : i32
    scf.if %cond3A_246 {
      %dma_wait3A_254 = arith.constant 0 : i32
      %dma_wait3A_255 = tpu.memref_slice %arg6[%dma_wait3A_254] : memref<4160xf32, #tpu.memory_space<vmem>> -> memref<128xf32, #tpu.memory_space<vmem>>
      %dma_wait3A_256 = arith.constant 0 : i32
      %dma_wait3A_257 = tpu.memref_slice %arg14[%dma_wait3A_256] : memref<50176xf32, #tpu.memory_space<vmem_shared>> -> memref<50176xf32, #tpu.memory_space<vmem_shared>>
      tpu.wait_indirect_dma semaphore(%arg19 : memref<!tpu.dma_semaphore, #tpu.memory_space<semaphore_mem>>) src(%dma_wait3A_255 : memref<128xf32, #tpu.memory_space<vmem>>) dst(%dma_wait3A_257 : memref<50176xf32, #tpu.memory_space<vmem_shared>>)
    } else {
    }
    %barrier3A_247 = arith.constant 0 : index
    tpu.barrier barrier_id(%barrier3A_247)
    %mul3A_248 = arith.constant 50176 : i32
    %mul3A_249 = arith.muli %arg0, %mul3A_248 : i32
    %mul3A_250 = arith.constant 3136 : i32
    %mul3A_251 = arith.muli %arg1, %mul3A_250 : i32
    %add3A_252 = arith.addi %mul3A_249, %mul3A_251 : i32
    %multiple_of3A_253 = tpu.assume_multiple %add3A_252, 8 : i32
    "tpu.region"() ({
      %run_scoped3A = tpu.sem_alloc : memref<!tpu.dma_semaphore, #tpu.memory_space<semaphore_mem>>
      %dma_start3A_254 = tpu.memref_slice %arg14[%multiple_of3A_84] : memref<50176xf32, #tpu.memory_space<vmem_shared>> -> memref<3136xf32, #tpu.memory_space<vmem_shared>>
      %dma_start3A_255 = tpu.memref_slice %arg14[%multiple_of3A_84] : memref<50176xf32, #tpu.memory_space<vmem_shared>> -> memref<3136xf32, #tpu.memory_space<vmem_shared>>
      tpu.enqueue_dma source(%dma_start3A_255 : memref<3136xf32, #tpu.memory_space<vmem_shared>>) target(%arg8 : memref<3136xf32, #tpu.memory_space<vmem>>) target_semaphore(%run_scoped3A : memref<!tpu.dma_semaphore, #tpu.memory_space<semaphore_mem>>)
      %dma_wait3A_256 = tpu.memref_slice %arg14[%multiple_of3A_84] : memref<50176xf32, #tpu.memory_space<vmem_shared>> -> memref<3136xf32, #tpu.memory_space<vmem_shared>>
      %dma_wait3A_257 = tpu.memref_slice %arg14[%multiple_of3A_84] : memref<50176xf32, #tpu.memory_space<vmem_shared>> -> memref<3136xf32, #tpu.memory_space<vmem_shared>>
      tpu.wait_dma2 semaphore(%run_scoped3A : memref<!tpu.dma_semaphore, #tpu.memory_space<semaphore_mem>>) src(%dma_wait3A_257 : memref<3136xf32, #tpu.memory_space<vmem_shared>>) dst(%arg8 : memref<3136xf32, #tpu.memory_space<vmem>>)
      tpu.yield
    }) : () -> ()
    "tpu.region"() ({
      %run_scoped3A = tpu.sem_alloc : memref<!tpu.dma_semaphore, #tpu.memory_space<semaphore_mem>>
      %dma_start3A_254 = tpu.memref_slice %arg3[%multiple_of3A_253] : memref<100352xf32, #tpu.memory_space<hbm>> -> memref<3136xf32, #tpu.memory_space<hbm>>
      %dma_start3A_255 = tpu.memref_slice %arg3[%multiple_of3A_253] : memref<100352xf32, #tpu.memory_space<hbm>> -> memref<3136xf32, #tpu.memory_space<hbm>>
      tpu.enqueue_dma source(%arg8 : memref<3136xf32, #tpu.memory_space<vmem>>) target(%dma_start3A_255 : memref<3136xf32, #tpu.memory_space<hbm>>) target_semaphore(%run_scoped3A : memref<!tpu.dma_semaphore, #tpu.memory_space<semaphore_mem>>)
      %dma_wait3A_256 = tpu.memref_slice %arg3[%multiple_of3A_253] : memref<100352xf32, #tpu.memory_space<hbm>> -> memref<3136xf32, #tpu.memory_space<hbm>>
      %dma_wait3A_257 = tpu.memref_slice %arg3[%multiple_of3A_253] : memref<100352xf32, #tpu.memory_space<hbm>> -> memref<3136xf32, #tpu.memory_space<hbm>>
      tpu.wait_dma2 semaphore(%run_scoped3A : memref<!tpu.dma_semaphore, #tpu.memory_space<semaphore_mem>>) src(%arg8 : memref<3136xf32, #tpu.memory_space<vmem>>) dst(%dma_wait3A_257 : memref<3136xf32, #tpu.memory_space<hbm>>)
      tpu.yield
    }) : () -> ()
    return
  }
}

module attributes {stable_mosaic.version = 14 : i64} {
  func.func @_tc_finish_body(%arg0: memref<1x1xf32, #tpu.memory_space<smem>>, %arg1: memref<2x392x128xf32, #tpu.memory_space<vmem>>, %arg2: memref<392x128xf32, #tpu.memory_space<vmem>>) attributes {dimension_semantics = [], scalar_prefetch = 0 : i64, scratch_operands = 0 : i64, tpu.core_type = #tpu.core_type<tc>} {
    %get3A = arith.constant 0 : index
    %get3A_0 = arith.constant 0 : index
    %get3A_1 = arith.constant 0 : index
    %get3A_2 = vector.load %arg1[%get3A, %get3A_0, %get3A_1] : memref<2x392x128xf32, #tpu.memory_space<vmem>>, vector<1x392x128xf32>
    %get3A_3 = vector.shape_cast %get3A_2 : vector<1x392x128xf32> to vector<392x128xf32>
    %get3A_4 = arith.constant 1 : index
    %get3A_5 = arith.constant 0 : index
    %get3A_6 = arith.constant 0 : index
    %get3A_7 = vector.load %arg1[%get3A_4, %get3A_5, %get3A_6] : memref<2x392x128xf32, #tpu.memory_space<vmem>>, vector<1x392x128xf32>
    %get3A_8 = vector.shape_cast %get3A_7 : vector<1x392x128xf32> to vector<392x128xf32>
    %add3A = arith.addf %get3A_3, %get3A_8 : vector<392x128xf32>
    %get3A_9 = arith.constant 0 : index
    %get3A_10 = arith.constant 0 : index
    %get3A_11 = memref.load %arg0[%get3A_9, %get3A_10] : memref<1x1xf32, #tpu.memory_space<smem>>
    %add3A_12 = arith.constant 1.000000e+00 : f32
    %add3A_13 = vector.broadcast %add3A_12 : f32 to vector<392x128xf32>
    %add3A_14 = arith.addf %add3A, %add3A_13 : vector<392x128xf32>
    %log3A = math.log %add3A_14 : vector<392x128xf32>
    %div3A = arith.constant 3.496500e+00 : f32
    %div3A_15 = vector.broadcast %div3A : f32 to vector<392x128xf32>
    %div3A_16 = arith.divf %log3A, %div3A_15 : vector<392x128xf32>
    %pow3A = vector.broadcast %get3A_11 : f32 to vector<392x128xf32>
    %pow3A_17 = math.powf %div3A_16, %pow3A : vector<392x128xf32>
    %swap3A = arith.constant 0 : index
    %swap3A_18 = arith.constant 0 : index
    %swap3A_19 = vector.load %arg2[%swap3A, %swap3A_18] : memref<392x128xf32, #tpu.memory_space<vmem>>, vector<392x128xf32>
    tpu.vector_store %arg2[%swap3A, %swap3A_18], %pow3A_17 {strides = array<i32>} : memref<392x128xf32, #tpu.memory_space<vmem>>, vector<392x128xf32>,
    return
  }
}

</mosaic_0001>

<sc_bundles>
// kernel: kernel.4.cloned.1.call-start
scs
__scs_entry_jumppad:
0x0: {  	(pc) =	sbr.rel $0x88, $3  }
0x1: {  	(tag) =	ssettag $0x0;
	lr =	simm.s32 $0x1  }
0x2: {  	[smem:$0x3F9F] =	sst lr;
	_ =	strace $0xD0000000  }
0x3: {  	_ = 	snop  }
0x4: {  	_ = 	snop  }
0x5: {  	_ = 	snop  }
0x6: {  	_ = 	snop  }
0x7: {  	_ = 	snop  }
__scs_overlays_trampoline_lowered:
0x8: {  	[smem:$0x3FAE] =	sst s0  }
0x9: {  	[smem:$0x3FAF] =	sst s1  }
0xa: {  	[smem:$0x3FB0] =	sst s2  }
0xb: {  	[smem:$0x3FB1] =	sst s3  }
0xc: {  	[smem:$0x3FB2] =	sst s4  }
0xd: {  	[smem:$0x3FB3] =	sst s5  }
0xe: {  	[smem:$0x3FB4] =	sst s6  }
0xf: {  	[smem:$0x3FB5] =	sst s7  }
0x10: {  	[smem:$0x3FB6] =	sst s8  }
0x11: {  	[smem:$0x3FB7] =	sst s9;
	s0 =	simm.s32 @!p0 $0x0  }
0x12: {  	s1 =	sld [smem:$0x3F9D];
	s0 =	simm.s32 @p0 $0x1  }
0x13: {  	[smem:$0x3FB8] =	sst s0;
	s0 =	simm.s32 @!p1 $0x0  }
0x14: {  	s2 =	sld [smem:$0x3F9C];
	s0 =	simm.s32 @p1 $0x1  }
0x15: {  	[smem:$0x3FB9] =	sst s0;
	s0 =	simm.s32 @!p2 $0x0  }
0x16: {  	s3 =	sld [smem:$0x3FDB];
	s0 =	simm.s32 @p2 $0x1  }
0x17: {  	s4 =	simm.s32 $0x1BF5;
	[smem:$0x3FBB] =	sst s0  }
0x18: {  	s0 =	sld [smem:$0x3F9E];
	_ =	swait.ge [sflag:s4], $0x0  }
0x19: {  	s7 =	sld [smem:$0x3F9F]  }
0x1a: {  	s8 =	sadd.s32 $0xFFFFE003, lr  }
0x1b: {  	s9 =	sadd.s32 $0xFFFFFEF7, lr;
	s5 =	simm.s32 $0xFFFFFFFF;
	p2 =	slt.u32 s8, $0xFFFFF086  }
0x1c: {  	p1 =	slt.u32 s9, $0xF7A;
	s5 =	simm.s32 @!p2 $0x0  }
0x1d: {  	s5 =	simm.s32 @p1 $0x1;
	p0 =	seq.s32 s7, s2  }
0x1e: {  	s7 =	smul.u32 @!p0 $0xF7A, s2;
	p2 =	seq.s32 @!p0 s5, $0x0  }
0x1f: {  	s9 =	smul.u32 $0xF7A, s1;
	s8 =	simm.s32 @!p0 $0x1BF5;
	p2 =	por !p2, p0  }
0x20: {  	[sflag:s8] =	ssyncset.s32 @!p0 $0xFFFFF086;
	s6 =	sadd.s32 @!p0 s3, s7;
	s7 =	simm.s32 @!p0 $0x108  }
0x21: {  	s3 =	sadd.s32 s3, s9;
	s6 =	sadd.s32 @!p0 $0x88, s6;
	s7 =	simm.s32 @p2 $0x1082  }
0x22: {  	[simem:s7], [sflag:s8] =	dma.local @!p0 [hbm:s6], $0xF7A  }
0x23: {  	s9 =	sor.u32 $0xD0000000, s2;
	s6 =	simm.s32 $0x108;
	_ =	swait.ge @!p0 [sflag:s8], $0x0  }
0x24: {  	s3 =	sadd.s32 $0x88, s3;
	s6 =	simm.s32 @!p1 $0x1082;
	[sflag:s4] =	ssyncset.s32 $0xFFFFF086  }
0x25: {  	[simem:s6], [sflag:s4] =	dma.local [hbm:s3], $0xF7A  }
0x26: {  	[smem:$0x3F9F] =	sst s1;
	(tag) =	ssettag s2;
	_ =	strace s9  }
0x27: {  	s1 =	sld [smem:$0x3FAF]  }
0x28: {  	s2 =	sld [smem:$0x3FB0]  }
0x29: {  	s4 =	sld [smem:$0x3FB2]  }
0x2a: {  	p0 =	seq.s32 s5, $0x0;
	s5 =	sld [smem:$0x3FB3]  }
0x2b: {  	s6 =	sld [smem:$0x3FB4]  }
0x2c: {  	s7 =	sld [smem:$0x3FB5]  }
0x2d: {  	s3 =	simm.s32 $0x108;
	s8 =	sld [smem:$0x3FB6]  }
0x2e: {  	s3 =	simm.s32 @!p0 $0x1082;
	s9 =	sld [smem:$0x3FB7]  }
0x2f: {  	lr =	sadd.s32 s0, s3;
	s0 =	sld [smem:$0x3FAE]  }
0x30: {  	s3 =	sld [smem:$0x3FB1]  }
0x31: {  	[smem:$0x3FBA] =	sst s10  }
0x32: {  	s10 =	sld [smem:$0x3FB8];
	_ =	sdelay $0x3  }
0x33: {  	p0 =	seq.s32 s10, $0x1;
	s10 =	sld [smem:$0x3FBA];
	_ =	sdelay $0x3  }
0x34: {  	[smem:$0x3FBA] =	sst s10  }
0x35: {  	s10 =	sld [smem:$0x3FB9];
	_ =	sdelay $0x3  }
0x36: {  	p1 =	seq.s32 s10, $0x1;
	s10 =	sld [smem:$0x3FBA];
	_ =	sdelay $0x3  }
0x37: {  	[smem:$0x3FBA] =	sst s10  }
0x38: {  	s10 =	sld [smem:$0x3FBB]  }
0x39: {  	_ = 	snop;
	(pc) =	sbr.ind lr, $3  }
0x3a: {  	_ = 	snop  }
0x3b: {  	_ = 	snop  }
0x3c: {  	p2 =	seq.s32 s10, $0x1;
	s10 =	sld [smem:$0x3FBA]  }
0x3d: {  	_ =	shalt  }
0x3e: {  	_ =	shalt  }
0x3f: {  	_ =	shalt  }
0x40: {  	_ =	shalt  }
0x41: {  	_ =	shalt  }
0x42: {  	_ =	shalt  }
0x43: {  	_ =	shalt  }
0x44: {  	_ =	shalt  }
0x45: {  	_ =	shalt  }
0x46: {  	_ =	shalt  }
0x47: {  	_ =	shalt  }
0x48: {  	_ =	shalt  }
0x49: {  	_ =	shalt  }
0x4a: {  	_ =	shalt  }
0x4b: {  	_ =	shalt  }
0x4c: {  	_ =	shalt  }
0x4d: {  	_ =	shalt  }
0x4e: {  	_ =	shalt  }
0x4f: {  	_ =	shalt  }
0x50: {  	_ =	shalt  }
0x51: {  	_ =	shalt  }
0x52: {  	_ =	shalt  }
0x53: {  	_ =	shalt  }
0x54: {  	_ =	shalt  }
0x55: {  	_ =	shalt  }
0x56: {  	_ =	shalt  }
0x57: {  	_ =	shalt  }
0x58: {  	_ =	shalt  }
0x59: {  	_ =	shalt  }
0x5a: {  	_ =	shalt  }
0x5b: {  	_ =	shalt  }
0x5c: {  	_ =	shalt  }
0x5d: {  	_ =	shalt  }
0x5e: {  	_ =	shalt  }
0x5f: {  	_ =	shalt  }
0x60: {  	_ =	shalt  }
0x61: {  	_ =	shalt  }
0x62: {  	_ =	shalt  }
0x63: {  	_ =	shalt  }
0x64: {  	_ =	shalt  }
0x65: {  	_ =	shalt  }
0x66: {  	_ =	shalt  }
0x67: {  	_ =	shalt  }
0x68: {  	_ =	shalt  }
0x69: {  	_ =	shalt  }
0x6a: {  	_ =	shalt  }
0x6b: {  	_ =	shalt  }
0x6c: {  	_ =	shalt  }
0x6d: {  	_ =	shalt  }
0x6e: {  	_ =	shalt  }
0x6f: {  	_ =	shalt  }
0x70: {  	_ =	shalt  }
0x71: {  	_ =	shalt  }
0x72: {  	_ =	shalt  }
0x73: {  	_ =	shalt  }
0x74: {  	_ =	shalt  }
0x75: {  	_ =	shalt  }
0x76: {  	_ =	shalt  }
0x77: {  	_ =	shalt  }
0x78: {  	_ =	shalt  }
0x79: {  	_ =	shalt  }
0x7a: {  	_ =	shalt  }
0x7b: {  	_ =	shalt  }
0x7c: {  	_ =	shalt  }
0x7d: {  	_ =	shalt  }
0x7e: {  	_ =	shalt  }
0x7f: {  	_ =	shalt  }
0x80: {  	_ =	shalt  }
0x81: {  	_ =	shalt  }
0x82: {  	_ =	shalt  }
0x83: {  	_ =	shalt  }
0x84: {  	_ =	shalt  }
0x85: {  	_ =	shalt  }
0x86: {  	_ =	shalt  }
0x87: {  	_ =	shalt  }
.Lfunc_end0:
.L_simem_size_0:
called_computation_lowered:
.L_overlay_start_0:
0x88: {  	s2 =	sld [smem:$0x3FD9]  }
0x89: {  	s3 =	sld [smem:$0x3FFE];
	_ =	sdelay $0x1  }
0x8a: {  	s1 =	srdreg.scid  }
0x8b: {  	s0 =	sand.u32 $0x1, s1  }
0x8c: {  	s17 =	sshll.u32 s0, $0xA;
	s2 =	sadd.s32 s3, s2  }
0x8d: {  	s2 =	sadd.s32 s2, s17  }
0x8e: {  	[smem:$0x3FC6] =	sst s2  }
0x8f: {  	_ = 	snop  }
0x90: {  	s2 =	sld [smem:$0x3FC9];
	(tm) =	ssettm $0x1  }
0x91: {  	s18 =	sld [smem:$0x3FFB];
	_ =	sdelay $0x3  }
0x92: {  	_ =	strace s18  }
0x93: {  	s3 =	sld [smem:$0x3FFC];
	_ =	sdelay $0x3  }
0x94: {  	_ =	strace s3  }
0x95: {  	s3 =	sld [smem:$0x3FFD];
	_ =	sdelay $0x3  }
0x96: {  	_ =	strace s3  }
0x97: {  	_ =	strace $0x8FFFFFFF  }
0x98: {  	s19 =	sld [smem:$0x3FDB];
	_ =	sdelay $0x1  }
0x99: {  	s4 =	simm.s32 $_scs_section_size  }
0x9a: {  	s5 =	simm.s32 $_size__tile_overlayer_lowered;
	s6 =	simm.s32 $_tile_overlayer_lowered  }
0x9b: {  	s22 =	simm.s32 $0x1BFF;
	s21 =	sshll.u32 s6, $0x1;
	s3 =	sadd.s32 s4, s19  }
0x9c: {  	s7 =	simm.s32 $0x0;
	s20 =	sshll.u32 s5, $0x1;
	s5 =	sadd.s32 s21, s3  }
0x9d: {  	[timem:s7], [sflag:s22] =	dma.local [hbm:s5], s20  }
0x9e: {  	_ =	swait.ge [sflag:s22], s20  }
0x9f: {  	s4 =	ssub.s32 $0x0, s20;
	[sflag:s22] =	ssyncset.done $0x0  }
0xa0: {  	[sflag:s22] =	ssyncadd.s32 s4;
	_ =	sdelay $0x1  }
0xa1: {  	s23 =	simm.s32 $0x1B8B  }
0xa2: {  	_ =	swait.ge [sflag:s23], $0x1  }
0xa3: {  	[sflag:s23] =	ssyncset.done $0x0  }
0xa4: {  	s25 =	simm.s32 $0x1B8E;
	s24 =	sld [smem:$0x3FFE];
	[sflag:s23] =	ssyncadd.s32 $0xFFFFFFFF  }
0xa5: {  	s26 =	simm.s32 $execute0_lowered;
	[smem:$0x3FD2] =	sst s25  }
0xa6: {  	s5 =	sshll.u32 s26, $0x1;
	_ =	strace $0x80000046;
	[dreg:$0x1] =	wrdreg $0xFFFFFFFF  }
0xa7: {  	s28 =	simm.s32 $_size_execute0_lowered;
	s3 =	sadd.s32 s3, s5;
	[dreg:$0x0] =	wrdreg $0x0  }
0xa8: {  	s5 =	sshll.u32 s28, $0x1;
	[dreg:$0x2] =	wrdreg s3  }
0xa9: {  	[dreg:$0x3] =	wrdreg s5  }
0xaa: {  	[dreg:$0x4] =	wrdreg $0xC0  }
0xab: {  	_ =	task [dreg:s7], $0x5FFFF  }
0xac: {  	[dreg:$0x1] =	wrdreg $0xFFFFFFFF  }
0xad: {  	[dreg:$0x0] =	wrdreg $0x60  }
0xae: {  	[dreg:$0x2] =	wrdreg s2  }
0xaf: {  	[dreg:$0x3] =	wrdreg s24  }
0xb0: {  	[dreg:$0x4] =	wrdreg $0x1F3000  }
0xb1: {  	[dreg:$0x5] =	wrdreg $0x9  }
0xb2: {  	_ =	task.clear_ibuf [dreg:s7], $0x6FFFF;
	_ =	strace $0x90000046  }
0xb3: {  	s29 =	simm.s32 $0x9;
	_ =	strace $0x80000048  }
0xb4: {  	_ =	swait.ge [sflag:s29], $0x1  }
0xb5: {  	[sflag:s29] =	ssyncadd.s32 $0xFFFFFFFF  }
0xb6: {  	_ =	strace $0x90000048  }
0xb7: {  	_ =	sfence  }
0xb8: {  	s30 =	sld [smem:$0x0];
	_ =	sdelay $0x2  }
0xb9: {  	s31 =	sshll.u32 s1, $0xD;
	s1 =	sshrl.u32 s1, $0x2  }
0xba: {  	s3 =	sand.u32 $0x4000, s31;
	s1 =	sadd.s32 s1, s30  }
0xbb: {  	s0 =	sor.u32 s3, s0;
	s1 =	sshll.u32 s1, $0x11  }
0xbc: {  	s0 =	sor.u32 s1, s0  }
0xbd: {  	s0 =	sadd.s32 $0x8F2B, s0  }
0xbe: {  	[sflag:s0] =	ssyncadd.remote.s32 $0x1  }
0xbf: {  	_ =	sfence.sel $0xFFFF  }
0xc0: {  	[dreg:$0x0] =	wrdreg $0xFFFFFFFF;
	(pc) =	sbr.abs _section_cstart, $3  }
0xc1: {  	[dreg:$0x1] =	wrdreg $0xFFFFFFFF  }
0xc2: {  	_ =	task.clear_ibuf [dreg:s7], $0x2FFFF;
	_ =	strace $0x9FFFFFFF  }
0xc3: {  	(tm) =	ssettm $0x7FFFFFFF  }
tec
execute0_lowered:
.L_overlay_start_1:
0x0: {  	(tag) =	ssettag $0x1  }
0x1: {  	s0 =	rddreg [dreg:$0x0];
	s1 =	srdreg.scid  }
0x2: {  	s8 =	stileid.u32;
	s4 =	rddreg [dreg:$0x1]  }
0x3: {  	s2 =	rddreg [dreg:$0x2];
	s3 =	simm.s32 $0x0;
	s28 =	simm.s32 $0x1D180  }
0x4: {  	s29 =	simm.s32 $0x1E200;
	s30 =	simm.s32 $0x8;
	s31 =	simm.s32 $0x1  }
0x5: {  	s14 =	simm.s32 $0x3;
	s15 =	simm.s32 $0x4;
	s16 =	simm.s32 $0xA  }
0x6: {  	s17 =	simm.s32 $0xB;
	s18 =	simm.s32 $0x1A400;
	s19 =	simm.s32 $0x0  }
0x7: {  	s1 =	sand.u32 $0x1, s1;
	s5 =	smul.u32 $0xC40, s8;
	[smem:$0x7FF] =	sst s3  }
0x8: {  	s6 =	smul.u32 $0xC400, s1;
	s7 =	sshll.u32 s1, $0x4;
	s1 =	ssub.s32 $0x2, s1  }
0x9: {  	_ =	strace $0x80000047;
	s7 =	sor.u32 s8, s7;
	s20 =	sshrl.u32 s1, $0x1  }
0xa: {  	s10 =	sadd.s32 s5, s2;
	s6 =	sadd.s32 s5, s6;
	s8 =	smul.u32 $0x18600, s7  }
0xb: {  	s9 =	smul.u32 $0x30C0, s7;
	s1 =	ssub.s32 s1, s20;
	s25 =	sshll.u32 s7, $0x5  }
0xc: {  	p0 =	sgt.u32 s7, $0x13;
	s20 =	simm.s32 $0xC;
	s6 =	sshrl.u32 s6, $0x3  }
0xd: {  	s13 =	smax.u32 s1, $0x1;
	s1 =	simm.s32 $0x2;
	s8 =	sshrl.u32 s8, $0x3  }
0xe: {  	s4 =	sadd.s32 s6, s4;
	s21 =	sadd.s32 s0, s9;
	s8 =	sadd.s32 s0, s8  }
0xf: {  	[dreg:$0x4] =	wrdreg s21;
	s0 =	sadd.s32 s25, s0;
	s22 =	sadd.s32 $0x820, s8  }
0x10: {  	s12 =	sadd.s32 $0x600, s4;
	s23 =	sadd.s32 $0x1040, s8;
	[dreg:$0x5] =	wrdreg s22  }
0x11: {  	s21 =	simm.s32 $0x6;
	s24 =	sadd.s32 $0x1860, s8;
	[dreg:$0x6] =	wrdreg s23  }
0x12: {  	s25 =	simm.s32 $0x1C100;
	s26 =	sadd.s32 $0x2080, s8;
	[dreg:$0x7] =	wrdreg s24  }
0x13: {  	s8 =	sadd.s32 $0x28A0, s8;
	s11 =	sadd.s32 $0x61800, s0;
	[dreg:$0x8] =	wrdreg s26  }
0x14: {  	s0 =	simm.s32 $0x9;
	[dreg:$0x9] =	wrdreg s8;
	s22 =	simm.s32 $0x1040  }
0x15: {  	v0 =	vimm.f32 $1.000000000e+00;
	v1 =	vimm.f32 $0.0e+00;
	s23 =	simm.s32 $0x1B080;
	s24 =	simm.s32 $0x18700;
	s26 =	simm.s32 $0x7  }
.LBB2_1:
0x16: {  	s4 =	rddreg [dreg:$0x4]  }
0x17: {  	[tilespmem:s3], [sflag:$0x6] =	stream.linear.gather [hbm4b:s4+s3], $0x4100, $0x38;
	[tilespmem:$0x1FF40] =	vst v63  }
0x18: {  	s9 =	rddreg [dreg:$0x5];
	s5 =	simm.s32 $0x4100  }
0x19: {  	[tilespmem:s5], [sflag:$0x7] =	stream.linear.gather [hbm4b:s9+s3], $0x4100, $0x38;
	[tilespmem:$0x1FF40] =	vst v63  }
0x1a: {  	s6 =	rddreg [dreg:$0x6];
	s7 =	simm.s32 $0x8200  }
0x1b: {  	[tilespmem:s7], [sflag:$0x8] =	stream.linear.gather [hbm4b:s6+s3], $0x4100, $0x38;
	[tilespmem:$0x1FF40] =	vst v63  }
0x1c: {  	s8 =	rddreg [dreg:$0x7];
	s9 =	simm.s32 $0xC300  }
0x1d: {  	[tilespmem:s9], [sflag:$0x9] =	stream.linear.gather [hbm4b:s8+s3], $0x4100, $0x38;
	[tilespmem:$0x1FF40] =	vst v63  }
0x1e: {  	s6 =	rddreg [dreg:$0x8];
	s7 =	simm.s32 $0x10400  }
0x1f: {  	[tilespmem:s7], [sflag:$0xA] =	stream.linear.gather [hbm4b:s6+s3], $0x4100, $0x38;
	[tilespmem:$0x1FF40] =	vst v63  }
0x20: {  	s4 =	simm.s32 $0x18740;
	s8 =	rddreg [dreg:$0x9];
	s9 =	simm.s32 $0x14500  }
0x21: {  	[tilespmem:s9], [sflag:$0xB] =	stream.linear.gather [hbm4b:s8+s3], $0x4100, $0x38;
	[tilespmem:$0x1FF40] =	vst v63  }
0x22: {  	[tilespmem:s4+$0xFFFFFFC0] =	vst v0  }
0x23: {  	[tilespmem:s4+$0x30] =	vst v0  }
0x24: {  	[tilespmem:s4+$0x20] =	vst v0  }
0x25: {  	[tilespmem:s4+$0x10] =	vst v0  }
0x26: {  	[tilespmem:s4+$0x0] =	vst v0  }
0x27: {  	[tilespmem:s4+$0xFFFFFFF0] =	vst v0  }
0x28: {  	s5 =	simm.s32 $0x0;
	[tilespmem:s4+$0xFFFFFFE0] =	vst v0  }
.LBB2_2:
0x29: {  	s5 =	sadd.s32 $0x8, s5;
	[tilespmem:s4+$0xFFFFFFD0] =	vst v0;
	s4 =	sadd.s32 $0x80, s4  }
0x2a: {  	[tilespmem:s4+$0xFFFFFFC0] =	vst v0;
	p1 =	slt.u32 s5, $0xF8  }
0x2b: {  	[tilespmem:s4+$0x30] =	vst v0  }
.Ltmp0:
0x2c: {  	[tilespmem:s4+$0x20] =	vst v0;
	(pc) =	sbr.rel @p1 .LBB2_2-.Ltmp0, $4  }
0x2d: {  	[tilespmem:s4+$0x10] =	vst v0  }
0x2e: {  	[tilespmem:s4+$0x0] =	vst v0  }
0x2f: {  	[tilespmem:s4+$0xFFFFFFF0] =	vst v0  }
0x30: {  	[tilespmem:s4+$0xFFFFFFE0] =	vst v0  }
0x31: {  	[tilespmem:s4+$0xFFFFFFD0] =	vst v0;
	s4 =	simm.s32 $0x0  }
.LBB2_4:
0x32: {  	p1 =	sne.s32 s4, $0xC0  }
.Ltmp1:
0x33: {  	_ = 	snop;
	(pc) =	sbr.rel @p1 .LBB2_4-.Ltmp1, $3  }
0x34: {  	_ =	sdelay $0x1  }
0x35: {  	s5 =	sshra.s32 s4, $0x2  }
0x36: {  	s4 =	sadd.s32 $0x40, s4;
	[tilespmem:s5+$0x19700] =	vst v0  }
0x37: {  	s4 =	simm.s32 $0x197C0  }
0x38: {  	[tilespmem:s4+$0xFFFFFFC0] =	vst v1  }
0x39: {  	[tilespmem:s4+$0x30] =	vst v1  }
0x3a: {  	[tilespmem:s4+$0x20] =	vst v1  }
0x3b: {  	[tilespmem:s4+$0x10] =	vst v1  }
0x3c: {  	[tilespmem:s4+$0x0] =	vst v1  }
0x3d: {  	[tilespmem:s4+$0xFFFFFFF0] =	vst v1  }
0x3e: {  	s5 =	simm.s32 $0x0;
	[tilespmem:s4+$0xFFFFFFE0] =	vst v1  }
.LBB2_6:
0x3f: {  	s5 =	sadd.s32 $0x8, s5;
	[tilespmem:s4+$0xFFFFFFD0] =	vst v1;
	s4 =	sadd.s32 $0x80, s4  }
0x40: {  	[tilespmem:s4+$0xFFFFFFC0] =	vst v1;
	p1 =	slt.u32 s5, $0xB8  }
0x41: {  	[tilespmem:s4+$0x30] =	vst v1  }
.Ltmp2:
0x42: {  	[tilespmem:s4+$0x20] =	vst v1;
	(pc) =	sbr.rel @p1 .LBB2_6-.Ltmp2, $4  }
0x43: {  	[tilespmem:s4+$0x10] =	vst v1  }
0x44: {  	[tilespmem:s4+$0x0] =	vst v1  }
0x45: {  	[tilespmem:s4+$0xFFFFFFF0] =	vst v1  }
0x46: {  	[tilespmem:s4+$0xFFFFFFE0] =	vst v1  }
0x47: {  	[tilespmem:s4+$0xFFFFFFD0] =	vst v1;
	s4 =	simm.s32 $0x0  }
.LBB2_8:
0x48: {  	p1 =	sne.s32 s4, $0xC0  }
.Ltmp3:
0x49: {  	_ = 	snop;
	(pc) =	sbr.rel @p1 .LBB2_8-.Ltmp3, $3  }
0x4a: {  	_ =	sdelay $0x1  }
0x4b: {  	s5 =	sshra.s32 s4, $0x2  }
0x4c: {  	s4 =	sadd.s32 $0x40, s4;
	[tilespmem:s5+$0x1A380] =	vst v1  }
0x4d: {  	s4 =	simm.s32 $0x19780  }
0x4e: {  	[spmem:s10] =	stream.linear.scatter [tilespmem:s4], [sflag:$0xC], $0xC40, $0x38;
	[tilespmem:$0x1FF40] =	vst v63  }
0x4f: {  	_ =	swait.ge [sflag:s20], $0xC40  }
0x50: {  	[sflag:s20] =	ssyncset.done $0x0  }
0x51: {  	[sflag:s20] =	ssyncadd.s32 $0xFFFFF3C0  }
0x52: {  	s5 =	simm.s32 @!p0 $0x18600;
	s4 =	simm.s32 @!p0 $0x0;
	[bflag:$0x0] =	sbarrier.arrive $0xFFFF  }
0x53: {  	[tilespmem:s5], [sflag:$0xC] =	stream.linear.gather @!p0 [hbm4b:s11+s4], $0x100, $0x38;
	[tilespmem:$0x1FF40] =	vst v63  }
0x54: {  	s4 =	simm.s32 @!p0 $0xC  }
0x55: {  	_ =	swait.ge @!p0 [sflag:s4], $0x100  }
0x56: {  	[sflag:s4] =	ssyncset.done @!p0 $0x0  }
0x57: {  	[sflag:s4] =	ssyncadd.s32 @!p0 $0xFFFFFF00  }
0x58: {  	v2 =	vld @!p0 [tilespmem:$0x18680]  }
0x59: {  	v3 =	vld @!p0 [tilespmem:$0x18690]  }
0x5a: {  	v4 =	vld @!p0 [tilespmem:$0x186A0]  }
0x5b: {  	v5 =	vld @!p0 [tilespmem:$0x186B0]  }
0x5c: {  	v6 =	vld @!p0 [tilespmem:$0x186C0]  }
0x5d: {  	[tilespmem:$0x1F280] =	vst @!p0 v2;
	v2 =	vld @!p0 [tilespmem:$0x186D0]  }
0x5e: {  	[tilespmem:$0x1F290] =	vst @!p0 v3;
	v3 =	vld @!p0 [tilespmem:$0x186E0]  }
0x5f: {  	[tilespmem:$0x1F2A0] =	vst @!p0 v4;
	v4 =	vld @!p0 [tilespmem:$0x186F0]  }
0x60: {  	[tilespmem:$0x1F2B0] =	vst @!p0 v5  }
0x61: {  	[tilespmem:$0x1F2C0] =	vst @!p0 v6  }
0x62: {  	[tilespmem:$0x1F2D0] =	vst @!p0 v2  }
0x63: {  	[tilespmem:$0x1F2E0] =	vst @!p0 v3  }
0x64: {  	s6 =	simm.s32 @!p0 $0x18700;
	s5 =	simm.s32 @!p0 $0x1F280;
	s4 =	simm.s32 @!p0 $0x80;
	[tilespmem:$0x1F2F0] =	vst @!p0 v4  }
0x65: {  	[spmem:s2] =	stream.indirect.scatter.add.f32 @!p0 [tilespmem:s6], [sflag:$0x5], $0x1, s5, s4, $0xb8;
	[tilespmem:$0x1FF40] =	vst v63  }
0x66: {  	_ =	swait.ge [sflag:s21], $0x4100  }
0x67: {  	[sflag:s21] =	ssyncset.done $0x0  }
0x68: {  	s9 =	simm.s32 $0xF0;
	[sflag:s21] =	ssyncadd.s32 $0xFFFFBF00  }
0x69: {  	v5 =	vld [tilespmem:s9+$0x0]  }
0x6a: {  	v6 =	vld [tilespmem:s9+$0xFFFFFFA0]  }
0x6b: {  	v7 =	vld [tilespmem:s9+$0xFFFFFFB0]  }
0x6c: {  	v2 =	vld [tilespmem:s9+$0xFFFFFFC0]  }
0x6d: {  	s7 =	simm.s32 $0x1B0C0;
	v3 =	vld [tilespmem:s9+$0xFFFFFFD0]  }
0x6e: {  	v4 =	vld [tilespmem:s9+$0xFFFFFFE0];
	[tilespmem:s7+$0x30] =	vst v5  }
0x6f: {  	s8 =	simm.s32 $0x0;
	s4 =	simm.s32 $0x8000;
	[tilespmem:s7+$0xFFFFFFD0] =	vst v6;
	v5 =	vld [tilespmem:s9+$0xFFFFFFF0]  }
0x70: {  	s5 =	simm.s32 $0x1C080;
	s6 =	simm.s32 $0x80;
	v6 =	vld [tilespmem:s9+$0xFFFFFF90];
	[tilespmem:s7+$0xFFFFFFE0] =	vst v7;
	s9 =	simm.s32 $0x1F0  }
.LBB2_10:
0x71: {  	v7 =	vld [tilespmem:s9+$0x0];
	s8 =	sadd.s32 $0x8, s8;
	[tilespmem:s7+$0xFFFFFFF0] =	vst v2  }
0x72: {  	v8 =	vld [tilespmem:s9+$0xFFFFFFA0];
	p1 =	slt.u32 s8, $0xF8;
	[tilespmem:s7+$0x0] =	vst v3  }
0x73: {  	v9 =	vld [tilespmem:s9+$0xFFFFFFB0];
	[tilespmem:s7+$0x10] =	vst v4  }
.Ltmp4:
0x74: {  	v2 =	vld [tilespmem:s9+$0xFFFFFFC0];
	[tilespmem:s7+$0x20] =	vst v5;
	(pc) =	sbr.rel @p1 .LBB2_10-.Ltmp4, $4  }
0x75: {  	v3 =	vld [tilespmem:s9+$0xFFFFFFD0];
	[tilespmem:s7+$0xFFFFFFC0] =	vst v6;
	s7 =	sadd.s32 $0x80, s7  }
0x76: {  	v4 =	vld [tilespmem:s9+$0xFFFFFFE0];
	[tilespmem:s7+$0x30] =	vst v7  }
0x77: {  	[tilespmem:s7+$0xFFFFFFD0] =	vst v8;
	v5 =	vld [tilespmem:s9+$0xFFFFFFF0]  }
0x78: {  	v6 =	vld [tilespmem:s9+$0xFFFFFF90];
	[tilespmem:s7+$0xFFFFFFE0] =	vst v9;
	s9 =	sadd.s32 $0x100, s9  }
0x79: {  	[tilespmem:s7+$0xFFFFFFF0] =	vst v2  }
0x7a: {  	[tilespmem:s7+$0x0] =	vst v3  }
0x7b: {  	[tilespmem:s7+$0x10] =	vst v4  }
0x7c: {  	[tilespmem:s7+$0x20] =	vst v5  }
0x7d: {  	[tilespmem:s7+$0xFFFFFFC0] =	vst v6  }
.LBB2_12:
0x7e: {  	s7 =	sshrl.u32 s4, $0x2  }
0x7f: {  	s7 =	sand.u32 $0x3FFFFF00, s7  }
0x80: {  	s7 =	sadd.s32 s7, s6  }
0x81: {  	p1 =	sne.s32 s4, $0x8180;
	v2 =	vld [tilespmem:s7+$0x0]  }
.Ltmp5:
0x82: {  	_ = 	snop;
	(pc) =	sbr.rel @p1 .LBB2_12-.Ltmp5, $2  }
0x83: {  	_ =	sdelay $0x2  }
0x84: {  	s4 =	sadd.s32 $0x80, s4;
	s6 =	sadd.s32 $0x10, s6;
	[tilespmem:s5+$0x0] =	vst v2;
	s5 =	sadd.s32 $0x10, s5  }
0x85: {  	[spmem:s2] =	stream.indirect.scatter.add.f32 [tilespmem:s24], [sflag:$0x1], $0x1, s23, s22, $0xb8;
	[tilespmem:$0x1FF40] =	vst v63  }
0x86: {  	s9 =	simm.s32 $0x21B0  }
0x87: {  	v5 =	vld [tilespmem:s9+$0x0]  }
0x88: {  	v6 =	vld [tilespmem:s9+$0xFFFFFF20]  }
0x89: {  	v7 =	vld [tilespmem:s9+$0xFFFFFF30]  }
0x8a: {  	v2 =	vld [tilespmem:s9+$0xFFFFFF40]  }
0x8b: {  	s7 =	simm.s32 $0x1C140;
	v3 =	vld [tilespmem:s9+$0xFFFFFFD0]  }
0x8c: {  	v4 =	vld [tilespmem:s9+$0xFFFFFFE0];
	[tilespmem:s7+$0x30] =	vst v5  }
0x8d: {  	s8 =	simm.s32 $0x0;
	s4 =	simm.s32 $0x4080;
	[tilespmem:s7+$0xFFFFFFD0] =	vst v6;
	v5 =	vld [tilespmem:s9+$0xFFFFFFF0]  }
0x8e: {  	s5 =	simm.s32 $0x1D100;
	s6 =	simm.s32 $0xC0;
	v6 =	vld [tilespmem:s9+$0xFFFFFF10];
	[tilespmem:s7+$0xFFFFFFE0] =	vst v7;
	s9 =	simm.s32 $0x22B0  }
.LBB2_14:
0x8f: {  	v7 =	vld [tilespmem:s9+$0x0];
	s8 =	sadd.s32 $0x8, s8;
	[tilespmem:s7+$0xFFFFFFF0] =	vst v2  }
0x90: {  	v8 =	vld [tilespmem:s9+$0xFFFFFF20];
	p1 =	slt.u32 s8, $0xF8;
	[tilespmem:s7+$0x0] =	vst v3  }
0x91: {  	v9 =	vld [tilespmem:s9+$0xFFFFFF30];
	[tilespmem:s7+$0x10] =	vst v4  }
.Ltmp6:
0x92: {  	v2 =	vld [tilespmem:s9+$0xFFFFFF40];
	[tilespmem:s7+$0x20] =	vst v5;
	(pc) =	sbr.rel @p1 .LBB2_14-.Ltmp6, $4  }
0x93: {  	v3 =	vld [tilespmem:s9+$0xFFFFFFD0];
	[tilespmem:s7+$0xFFFFFFC0] =	vst v6;
	s7 =	sadd.s32 $0x80, s7  }
0x94: {  	v4 =	vld [tilespmem:s9+$0xFFFFFFE0];
	[tilespmem:s7+$0x30] =	vst v7  }
0x95: {  	[tilespmem:s7+$0xFFFFFFD0] =	vst v8;
	v5 =	vld [tilespmem:s9+$0xFFFFFFF0]  }
0x96: {  	v6 =	vld [tilespmem:s9+$0xFFFFFF10];
	[tilespmem:s7+$0xFFFFFFE0] =	vst v9;
	s9 =	sadd.s32 $0x100, s9  }
0x97: {  	[tilespmem:s7+$0xFFFFFFF0] =	vst v2  }
0x98: {  	[tilespmem:s7+$0x0] =	vst v3  }
0x99: {  	[tilespmem:s7+$0x10] =	vst v4  }
0x9a: {  	[tilespmem:s7+$0x20] =	vst v5  }
0x9b: {  	[tilespmem:s7+$0xFFFFFFC0] =	vst v6  }
.LBB2_16:
0x9c: {  	s7 =	sand.u32 $0x3FFFFF00, s4  }
0x9d: {  	s7 =	sadd.s32 s7, s6  }
0x9e: {  	p1 =	sne.s32 s4, $0x40E0;
	v2 =	vld [tilespmem:s7+$0x0]  }
.Ltmp7:
0x9f: {  	_ = 	snop;
	(pc) =	sbr.rel @p1 .LBB2_16-.Ltmp7, $2  }
0xa0: {  	_ =	sdelay $0x2  }
0xa1: {  	s4 =	sadd.s32 $0x20, s4;
	s6 =	sadd.s32 $0x10, s6;
	[tilespmem:s5+$0x0] =	vst v2;
	s5 =	sadd.s32 $0x10, s5  }
0xa2: {  	[spmem:s2] =	stream.indirect.scatter.add.f32 [tilespmem:s24], [sflag:$0x2], $0x1, s25, s22, $0xb8;
	[tilespmem:$0x1FF40] =	vst v63  }
0xa3: {  	_ =	swait.ge [sflag:s26], $0x4100  }
0xa4: {  	[sflag:s26] =	ssyncset.done $0x0  }
0xa5: {  	s9 =	simm.s32 $0x41F0;
	[sflag:s26] =	ssyncadd.s32 $0xFFFFBF00  }
0xa6: {  	v5 =	vld [tilespmem:s9+$0x0]  }
0xa7: {  	v6 =	vld [tilespmem:s9+$0xFFFFFFA0]  }
0xa8: {  	v7 =	vld [tilespmem:s9+$0xFFFFFFB0]  }
0xa9: {  	v2 =	vld [tilespmem:s9+$0xFFFFFFC0]  }
0xaa: {  	s7 =	simm.s32 $0x1D1C0;
	v3 =	vld [tilespmem:s9+$0xFFFFFFD0]  }
0xab: {  	v4 =	vld [tilespmem:s9+$0xFFFFFFE0];
	[tilespmem:s7+$0x30] =	vst v5  }
0xac: {  	s8 =	simm.s32 $0x0;
	s4 =	simm.s32 $0x2000;
	[tilespmem:s7+$0xFFFFFFD0] =	vst v6;
	v5 =	vld [tilespmem:s9+$0xFFFFFFF0]  }
0xad: {  	s5 =	simm.s32 $0x1E180;
	s6 =	simm.s32 $0x4180;
	v6 =	vld [tilespmem:s9+$0xFFFFFF90];
	[tilespmem:s7+$0xFFFFFFE0] =	vst v7;
	s9 =	simm.s32 $0x42F0  }
.LBB2_18:
0xae: {  	v7 =	vld [tilespmem:s9+$0x0];
	s8 =	sadd.s32 $0x8, s8;
	[tilespmem:s7+$0xFFFFFFF0] =	vst v2  }
0xaf: {  	v8 =	vld [tilespmem:s9+$0xFFFFFFA0];
	p1 =	slt.u32 s8, $0xF8;
	[tilespmem:s7+$0x0] =	vst v3  }
0xb0: {  	v9 =	vld [tilespmem:s9+$0xFFFFFFB0];
	[tilespmem:s7+$0x10] =	vst v4  }
.Ltmp8:
0xb1: {  	v2 =	vld [tilespmem:s9+$0xFFFFFFC0];
	[tilespmem:s7+$0x20] =	vst v5;
	(pc) =	sbr.rel @p1 .LBB2_18-.Ltmp8, $4  }
0xb2: {  	v3 =	vld [tilespmem:s9+$0xFFFFFFD0];
	[tilespmem:s7+$0xFFFFFFC0] =	vst v6;
	s7 =	sadd.s32 $0x80, s7  }
0xb3: {  	v4 =	vld [tilespmem:s9+$0xFFFFFFE0];
	[tilespmem:s7+$0x30] =	vst v7  }
0xb4: {  	[tilespmem:s7+$0xFFFFFFD0] =	vst v8;
	v5 =	vld [tilespmem:s9+$0xFFFFFFF0]  }
0xb5: {  	v6 =	vld [tilespmem:s9+$0xFFFFFF90];
	[tilespmem:s7+$0xFFFFFFE0] =	vst v9;
	s9 =	sadd.s32 $0x100, s9  }
0xb6: {  	[tilespmem:s7+$0xFFFFFFF0] =	vst v2  }
0xb7: {  	[tilespmem:s7+$0x0] =	vst v3  }
0xb8: {  	[tilespmem:s7+$0x10] =	vst v4  }
0xb9: {  	[tilespmem:s7+$0x20] =	vst v5  }
0xba: {  	[tilespmem:s7+$0xFFFFFFC0] =	vst v6  }
.LBB2_20:
0xbb: {  	s7 =	sand.u32 $0x3FFFFF00, s4  }
0xbc: {  	s7 =	sadd.s32 s7, s6  }
0xbd: {  	p1 =	sne.s32 s4, $0x2060;
	v2 =	vld [tilespmem:s7+$0x0]  }
.Ltmp9:
0xbe: {  	_ = 	snop;
	(pc) =	sbr.rel @p1 .LBB2_20-.Ltmp9, $2  }
0xbf: {  	_ =	sdelay $0x2  }
0xc0: {  	s4 =	sadd.s32 $0x20, s4;
	s6 =	sadd.s32 $0x10, s6;
	[tilespmem:s5+$0x0] =	vst v2;
	s5 =	sadd.s32 $0x10, s5  }
0xc1: {  	[spmem:s2] =	stream.indirect.scatter.add.f32 [tilespmem:s24], [sflag:$0x3], $0x1, s28, s22, $0xb8;
	[tilespmem:$0x1FF40] =	vst v63  }
0xc2: {  	s8 =	simm.s32 $0x62B0  }
0xc3: {  	v5 =	vld [tilespmem:s8+$0x0]  }
0xc4: {  	v6 =	vld [tilespmem:s8+$0xFFFFFF20]  }
0xc5: {  	v7 =	vld [tilespmem:s8+$0xFFFFFF30]  }
0xc6: {  	v2 =	vld [tilespmem:s8+$0xFFFFFF40]  }
0xc7: {  	s6 =	simm.s32 $0x1E240;
	v3 =	vld [tilespmem:s8+$0xFFFFFFD0]  }
0xc8: {  	v4 =	vld [tilespmem:s8+$0xFFFFFFE0];
	[tilespmem:s6+$0x30] =	vst v5  }
0xc9: {  	s7 =	simm.s32 $0x0;
	[tilespmem:s6+$0xFFFFFFD0] =	vst v6;
	v5 =	vld [tilespmem:s8+$0xFFFFFFF0]  }
0xca: {  	s4 =	simm.s32 $0x8180;
	s5 =	simm.s32 $0x1F200;
	v6 =	vld [tilespmem:s8+$0xFFFFFF10];
	[tilespmem:s6+$0xFFFFFFE0] =	vst v7;
	s8 =	simm.s32 $0x63B0  }
.LBB2_22:
0xcb: {  	v7 =	vld [tilespmem:s8+$0x0];
	s7 =	sadd.s32 $0x8, s7;
	[tilespmem:s6+$0xFFFFFFF0] =	vst v2  }
0xcc: {  	v8 =	vld [tilespmem:s8+$0xFFFFFF20];
	p1 =	slt.u32 s7, $0xF8;
	[tilespmem:s6+$0x0] =	vst v3  }
0xcd: {  	v9 =	vld [tilespmem:s8+$0xFFFFFF30];
	[tilespmem:s6+$0x10] =	vst v4  }
.Ltmp10:
0xce: {  	v2 =	vld [tilespmem:s8+$0xFFFFFF40];
	[tilespmem:s6+$0x20] =	vst v5;
	(pc) =	sbr.rel @p1 .LBB2_22-.Ltmp10, $4  }
0xcf: {  	v3 =	vld [tilespmem:s8+$0xFFFFFFD0];
	[tilespmem:s6+$0xFFFFFFC0] =	vst v6;
	s6 =	sadd.s32 $0x80, s6  }
0xd0: {  	s9 =	simm.s32 $0xC0;
	v4 =	vld [tilespmem:s8+$0xFFFFFFE0];
	[tilespmem:s6+$0x30] =	vst v7  }
0xd1: {  	[tilespmem:s6+$0xFFFFFFD0] =	vst v8;
	v5 =	vld [tilespmem:s8+$0xFFFFFFF0]  }
0xd2: {  	v6 =	vld [tilespmem:s8+$0xFFFFFF10];
	[tilespmem:s6+$0xFFFFFFE0] =	vst v9;
	s8 =	sadd.s32 $0x100, s8  }
0xd3: {  	[tilespmem:s6+$0xFFFFFFF0] =	vst v2  }
0xd4: {  	[tilespmem:s6+$0x0] =	vst v3  }
0xd5: {  	[tilespmem:s6+$0x10] =	vst v4  }
0xd6: {  	[tilespmem:s6+$0x20] =	vst v5  }
0xd7: {  	[tilespmem:s6+$0xFFFFFFC0] =	vst v6  }
.LBB2_24:
0xd8: {  	s6 =	sand.u32 $0x3FFFFF00, s4  }
0xd9: {  	s6 =	sadd.s32 s6, s9  }
0xda: {  	p1 =	sne.s32 s4, $0x81E0;
	v2 =	vld [tilespmem:s6+$0x0]  }
.Ltmp11:
0xdb: {  	_ = 	snop;
	(pc) =	sbr.rel @p1 .LBB2_24-.Ltmp11, $2  }
0xdc: {  	_ =	sdelay $0x2  }
0xdd: {  	s4 =	sadd.s32 $0x20, s4;
	s9 =	sadd.s32 $0x10, s9;
	[tilespmem:s5+$0x0] =	vst v2;
	s5 =	sadd.s32 $0x10, s5  }
0xde: {  	[spmem:s2] =	stream.indirect.scatter.add.f32 [tilespmem:s24], [sflag:$0x4], $0x1, s29, s22, $0xb8;
	[tilespmem:$0x1FF40] =	vst v63  }
0xdf: {  	_ =	swait.ge [sflag:s30], $0x4100  }
0xe0: {  	[sflag:s30] =	ssyncset.done $0x0  }
0xe1: {  	[sflag:s30] =	ssyncadd.s32 $0xFFFFBF00  }
0xe2: {  	_ =	swait.ge [sflag:s31], $0x1040  }
0xe3: {  	[sflag:s31] =	ssyncset.done $0x0  }
0xe4: {  	s7 =	simm.s32 $0x82F0;
	[sflag:s31] =	ssyncadd.s32 $0xFFFFEFC0  }
0xe5: {  	v5 =	vld [tilespmem:s7+$0x0]  }
0xe6: {  	v6 =	vld [tilespmem:s7+$0xFFFFFFA0]  }
0xe7: {  	v7 =	vld [tilespmem:s7+$0xFFFFFFB0]  }
0xe8: {  	v2 =	vld [tilespmem:s7+$0xFFFFFFC0]  }
0xe9: {  	s5 =	simm.s32 $0x1B0C0;
	v3 =	vld [tilespmem:s7+$0xFFFFFFD0]  }
0xea: {  	v4 =	vld [tilespmem:s7+$0xFFFFFFE0];
	[tilespmem:s5+$0x30] =	vst v5  }
0xeb: {  	[tilespmem:s5+$0xFFFFFFD0] =	vst v6;
	v5 =	vld [tilespmem:s7+$0xFFFFFFF0]  }
0xec: {  	s6 =	simm.s32 $0x0;
	s4 =	simm.s32 $0x8280;
	v6 =	vld [tilespmem:s7+$0xFFFFFF90];
	[tilespmem:s5+$0xFFFFFFE0] =	vst v7;
	s7 =	simm.s32 $0x83F0  }
.LBB2_26:
0xed: {  	v7 =	vld [tilespmem:s7+$0x0];
	s6 =	sadd.s32 $0x8, s6;
	[tilespmem:s5+$0xFFFFFFF0] =	vst v2  }
0xee: {  	v8 =	vld [tilespmem:s7+$0xFFFFFFA0];
	p1 =	slt.u32 s6, $0xF8;
	[tilespmem:s5+$0x0] =	vst v3  }
0xef: {  	v9 =	vld [tilespmem:s7+$0xFFFFFFB0];
	[tilespmem:s5+$0x10] =	vst v4  }
.Ltmp12:
0xf0: {  	v2 =	vld [tilespmem:s7+$0xFFFFFFC0];
	[tilespmem:s5+$0x20] =	vst v5;
	(pc) =	sbr.rel @p1 .LBB2_26-.Ltmp12, $4  }
0xf1: {  	v3 =	vld [tilespmem:s7+$0xFFFFFFD0];
	[tilespmem:s5+$0xFFFFFFC0] =	vst v6;
	s5 =	sadd.s32 $0x80, s5  }
0xf2: {  	s8 =	simm.s32 $0x2000;
	s9 =	simm.s32 $0x1C080;
	v4 =	vld [tilespmem:s7+$0xFFFFFFE0];
	[tilespmem:s5+$0x30] =	vst v7  }
0xf3: {  	[tilespmem:s5+$0xFFFFFFD0] =	vst v8;
	v5 =	vld [tilespmem:s7+$0xFFFFFFF0]  }
0xf4: {  	v6 =	vld [tilespmem:s7+$0xFFFFFF90];
	[tilespmem:s5+$0xFFFFFFE0] =	vst v9;
	s7 =	sadd.s32 $0x100, s7  }
0xf5: {  	[tilespmem:s5+$0xFFFFFFF0] =	vst v2  }
0xf6: {  	[tilespmem:s5+$0x0] =	vst v3  }
0xf7: {  	[tilespmem:s5+$0x10] =	vst v4  }
0xf8: {  	[tilespmem:s5+$0x20] =	vst v5  }
0xf9: {  	[tilespmem:s5+$0xFFFFFFC0] =	vst v6  }
.LBB2_28:
0xfa: {  	s5 =	sand.u32 $0x3FFFFF00, s8  }
0xfb: {  	s5 =	sadd.s32 s5, s4  }
0xfc: {  	p1 =	sne.s32 s8, $0x2060;
	v2 =	vld [tilespmem:s5+$0x0]  }
.Ltmp13:
0xfd: {  	_ = 	snop;
	(pc) =	sbr.rel @p1 .LBB2_28-.Ltmp13, $2  }
0xfe: {  	_ =	sdelay $0x2  }
0xff: {  	s8 =	sadd.s32 $0x20, s8;
	s4 =	sadd.s32 $0x10, s4;
	[tilespmem:s9+$0x0] =	vst v2;
	s9 =	sadd.s32 $0x10, s9  }
0x100: {  	[spmem:s2] =	stream.indirect.scatter.add.f32 [tilespmem:s24], [sflag:$0x1], $0x1, s23, s22, $0xb8;
	[tilespmem:$0x1FF40] =	vst v63  }
0x101: {  	_ =	swait.ge [sflag:s1], $0x1040  }
0x102: {  	[sflag:s1] =	ssyncset.done $0x0  }
0x103: {  	s7 =	simm.s32 $0xA3B0;
	[sflag:s1] =	ssyncadd.s32 $0xFFFFEFC0  }
0x104: {  	v5 =	vld [tilespmem:s7+$0x0]  }
0x105: {  	v6 =	vld [tilespmem:s7+$0xFFFFFF20]  }
0x106: {  	v7 =	vld [tilespmem:s7+$0xFFFFFF30]  }
0x107: {  	v2 =	vld [tilespmem:s7+$0xFFFFFF40]  }
0x108: {  	s5 =	simm.s32 $0x1C140;
	v3 =	vld [tilespmem:s7+$0xFFFFFFD0]  }
0x109: {  	v4 =	vld [tilespmem:s7+$0xFFFFFFE0];
	[tilespmem:s5+$0x30] =	vst v5  }
0x10a: {  	[tilespmem:s5+$0xFFFFFFD0] =	vst v6;
	v5 =	vld [tilespmem:s7+$0xFFFFFFF0]  }
0x10b: {  	s6 =	simm.s32 $0x0;
	s4 =	simm.s32 $0xC280;
	v6 =	vld [tilespmem:s7+$0xFFFFFF10];
	[tilespmem:s5+$0xFFFFFFE0] =	vst v7;
	s7 =	simm.s32 $0xA4B0  }
.LBB2_30:
0x10c: {  	v7 =	vld [tilespmem:s7+$0x0];
	s6 =	sadd.s32 $0x8, s6;
	[tilespmem:s5+$0xFFFFFFF0] =	vst v2  }
0x10d: {  	v8 =	vld [tilespmem:s7+$0xFFFFFF20];
	p1 =	slt.u32 s6, $0xF8;
	[tilespmem:s5+$0x0] =	vst v3  }
0x10e: {  	v9 =	vld [tilespmem:s7+$0xFFFFFF30];
	[tilespmem:s5+$0x10] =	vst v4  }
.Ltmp14:
0x10f: {  	v2 =	vld [tilespmem:s7+$0xFFFFFF40];
	[tilespmem:s5+$0x20] =	vst v5;
	(pc) =	sbr.rel @p1 .LBB2_30-.Ltmp14, $4  }
0x110: {  	v3 =	vld [tilespmem:s7+$0xFFFFFFD0];
	[tilespmem:s5+$0xFFFFFFC0] =	vst v6;
	s5 =	sadd.s32 $0x80, s5  }
0x111: {  	s8 =	simm.s32 $0x1D100;
	s9 =	simm.s32 $0xC0;
	v4 =	vld [tilespmem:s7+$0xFFFFFFE0];
	[tilespmem:s5+$0x30] =	vst v7  }
0x112: {  	[tilespmem:s5+$0xFFFFFFD0] =	vst v8;
	v5 =	vld [tilespmem:s7+$0xFFFFFFF0]  }
0x113: {  	v6 =	vld [tilespmem:s7+$0xFFFFFF10];
	[tilespmem:s5+$0xFFFFFFE0] =	vst v9;
	s7 =	sadd.s32 $0x100, s7  }
0x114: {  	[tilespmem:s5+$0xFFFFFFF0] =	vst v2  }
0x115: {  	[tilespmem:s5+$0x0] =	vst v3  }
0x116: {  	[tilespmem:s5+$0x10] =	vst v4  }
0x117: {  	[tilespmem:s5+$0x20] =	vst v5  }
0x118: {  	[tilespmem:s5+$0xFFFFFFC0] =	vst v6  }
.LBB2_32:
0x119: {  	s5 =	sand.u32 $0x3FFFFF00, s4  }
0x11a: {  	s5 =	sadd.s32 s5, s9  }
0x11b: {  	p1 =	sne.s32 s4, $0xC2E0;
	v2 =	vld [tilespmem:s5+$0x0]  }
.Ltmp15:
0x11c: {  	_ = 	snop;
	(pc) =	sbr.rel @p1 .LBB2_32-.Ltmp15, $2  }
0x11d: {  	_ =	sdelay $0x2  }
0x11e: {  	s4 =	sadd.s32 $0x20, s4;
	s9 =	sadd.s32 $0x10, s9;
	[tilespmem:s8+$0x0] =	vst v2;
	s8 =	sadd.s32 $0x10, s8  }
0x11f: {  	[spmem:s2] =	stream.indirect.scatter.add.f32 [tilespmem:s24], [sflag:$0x2], $0x1, s25, s22, $0xb8;
	[tilespmem:$0x1FF40] =	vst v63  }
0x120: {  	_ =	swait.ge [sflag:s0], $0x4100  }
0x121: {  	[sflag:s0] =	ssyncset.done $0x0  }
0x122: {  	[sflag:s0] =	ssyncadd.s32 $0xFFFFBF00  }
0x123: {  	_ =	swait.ge [sflag:s14], $0x1040  }
0x124: {  	[sflag:s14] =	ssyncset.done $0x0  }
0x125: {  	s7 =	simm.s32 $0xC3F0;
	[sflag:s14] =	ssyncadd.s32 $0xFFFFEFC0  }
0x126: {  	v5 =	vld [tilespmem:s7+$0x0]  }
0x127: {  	v6 =	vld [tilespmem:s7+$0xFFFFFFA0]  }
0x128: {  	v7 =	vld [tilespmem:s7+$0xFFFFFFB0]  }
0x129: {  	v2 =	vld [tilespmem:s7+$0xFFFFFFC0]  }
0x12a: {  	s5 =	simm.s32 $0x1D1C0;
	v3 =	vld [tilespmem:s7+$0xFFFFFFD0]  }
0x12b: {  	v4 =	vld [tilespmem:s7+$0xFFFFFFE0];
	[tilespmem:s5+$0x30] =	vst v5  }
0x12c: {  	[tilespmem:s5+$0xFFFFFFD0] =	vst v6;
	v5 =	vld [tilespmem:s7+$0xFFFFFFF0]  }
0x12d: {  	s6 =	simm.s32 $0x0;
	s4 =	simm.s32 $0xC380;
	v6 =	vld [tilespmem:s7+$0xFFFFFF90];
	[tilespmem:s5+$0xFFFFFFE0] =	vst v7;
	s7 =	simm.s32 $0xC4F0  }
.LBB2_34:
0x12e: {  	v7 =	vld [tilespmem:s7+$0x0];
	s6 =	sadd.s32 $0x8, s6;
	[tilespmem:s5+$0xFFFFFFF0] =	vst v2  }
0x12f: {  	v8 =	vld [tilespmem:s7+$0xFFFFFFA0];
	p1 =	slt.u32 s6, $0xF8;
	[tilespmem:s5+$0x0] =	vst v3  }
0x130: {  	v9 =	vld [tilespmem:s7+$0xFFFFFFB0];
	[tilespmem:s5+$0x10] =	vst v4  }
.Ltmp16:
0x131: {  	v2 =	vld [tilespmem:s7+$0xFFFFFFC0];
	[tilespmem:s5+$0x20] =	vst v5;
	(pc) =	sbr.rel @p1 .LBB2_34-.Ltmp16, $4  }
0x132: {  	v3 =	vld [tilespmem:s7+$0xFFFFFFD0];
	[tilespmem:s5+$0xFFFFFFC0] =	vst v6;
	s5 =	sadd.s32 $0x80, s5  }
0x133: {  	s8 =	simm.s32 $0x2000;
	s9 =	simm.s32 $0x1E180;
	v4 =	vld [tilespmem:s7+$0xFFFFFFE0];
	[tilespmem:s5+$0x30] =	vst v7  }
0x134: {  	[tilespmem:s5+$0xFFFFFFD0] =	vst v8;
	v5 =	vld [tilespmem:s7+$0xFFFFFFF0]  }
0x135: {  	v6 =	vld [tilespmem:s7+$0xFFFFFF90];
	[tilespmem:s5+$0xFFFFFFE0] =	vst v9;
	s7 =	sadd.s32 $0x100, s7  }
0x136: {  	[tilespmem:s5+$0xFFFFFFF0] =	vst v2  }
0x137: {  	[tilespmem:s5+$0x0] =	vst v3  }
0x138: {  	[tilespmem:s5+$0x10] =	vst v4  }
0x139: {  	[tilespmem:s5+$0x20] =	vst v5  }
0x13a: {  	[tilespmem:s5+$0xFFFFFFC0] =	vst v6  }
.LBB2_36:
0x13b: {  	s5 =	sand.u32 $0x3FFFFF00, s8  }
0x13c: {  	s5 =	sadd.s32 s5, s4  }
0x13d: {  	p1 =	sne.s32 s8, $0x2060;
	v2 =	vld [tilespmem:s5+$0x0]  }
.Ltmp17:
0x13e: {  	_ = 	snop;
	(pc) =	sbr.rel @p1 .LBB2_36-.Ltmp17, $2  }
0x13f: {  	_ =	sdelay $0x2  }
0x140: {  	s8 =	sadd.s32 $0x20, s8;
	s4 =	sadd.s32 $0x10, s4;
	[tilespmem:s9+$0x0] =	vst v2;
	s9 =	sadd.s32 $0x10, s9  }
0x141: {  	[spmem:s2] =	stream.indirect.scatter.add.f32 [tilespmem:s24], [sflag:$0x3], $0x1, s28, s22, $0xb8;
	[tilespmem:$0x1FF40] =	vst v63  }
0x142: {  	_ =	swait.ge [sflag:s15], $0x1040  }
0x143: {  	[sflag:s15] =	ssyncset.done $0x0  }
0x144: {  	s7 =	simm.s32 $0xE4B0;
	[sflag:s15] =	ssyncadd.s32 $0xFFFFEFC0  }
0x145: {  	v5 =	vld [tilespmem:s7+$0x0]  }
0x146: {  	v6 =	vld [tilespmem:s7+$0xFFFFFF20]  }
0x147: {  	v7 =	vld [tilespmem:s7+$0xFFFFFF30]  }
0x148: {  	v2 =	vld [tilespmem:s7+$0xFFFFFF40]  }
0x149: {  	s5 =	simm.s32 $0x1E240;
	v3 =	vld [tilespmem:s7+$0xFFFFFFD0]  }
0x14a: {  	v4 =	vld [tilespmem:s7+$0xFFFFFFE0];
	[tilespmem:s5+$0x30] =	vst v5  }
0x14b: {  	[tilespmem:s5+$0xFFFFFFD0] =	vst v6;
	v5 =	vld [tilespmem:s7+$0xFFFFFFF0]  }
0x14c: {  	s6 =	simm.s32 $0x0;
	s4 =	simm.s32 $0x10380;
	v6 =	vld [tilespmem:s7+$0xFFFFFF10];
	[tilespmem:s5+$0xFFFFFFE0] =	vst v7;
	s7 =	simm.s32 $0xE5B0  }
.LBB2_38:
0x14d: {  	v7 =	vld [tilespmem:s7+$0x0];
	s6 =	sadd.s32 $0x8, s6;
	[tilespmem:s5+$0xFFFFFFF0] =	vst v2  }
0x14e: {  	v8 =	vld [tilespmem:s7+$0xFFFFFF20];
	p1 =	slt.u32 s6, $0xF8;
	[tilespmem:s5+$0x0] =	vst v3  }
0x14f: {  	v9 =	vld [tilespmem:s7+$0xFFFFFF30];
	[tilespmem:s5+$0x10] =	vst v4  }
.Ltmp18:
0x150: {  	v2 =	vld [tilespmem:s7+$0xFFFFFF40];
	[tilespmem:s5+$0x20] =	vst v5;
	(pc) =	sbr.rel @p1 .LBB2_38-.Ltmp18, $4  }
0x151: {  	v3 =	vld [tilespmem:s7+$0xFFFFFFD0];
	[tilespmem:s5+$0xFFFFFFC0] =	vst v6;
	s5 =	sadd.s32 $0x80, s5  }
0x152: {  	s8 =	simm.s32 $0x1F200;
	s9 =	simm.s32 $0xC0;
	v4 =	vld [tilespmem:s7+$0xFFFFFFE0];
	[tilespmem:s5+$0x30] =	vst v7  }
0x153: {  	[tilespmem:s5+$0xFFFFFFD0] =	vst v8;
	v5 =	vld [tilespmem:s7+$0xFFFFFFF0]  }
0x154: {  	v6 =	vld [tilespmem:s7+$0xFFFFFF10];
	[tilespmem:s5+$0xFFFFFFE0] =	vst v9;
	s7 =	sadd.s32 $0x100, s7  }
0x155: {  	[tilespmem:s5+$0xFFFFFFF0] =	vst v2  }
0x156: {  	[tilespmem:s5+$0x0] =	vst v3  }
0x157: {  	[tilespmem:s5+$0x10] =	vst v4  }
0x158: {  	[tilespmem:s5+$0x20] =	vst v5  }
0x159: {  	[tilespmem:s5+$0xFFFFFFC0] =	vst v6  }
.LBB2_40:
0x15a: {  	s5 =	sand.u32 $0x3FFFFF00, s4  }
0x15b: {  	s5 =	sadd.s32 s5, s9  }
0x15c: {  	p1 =	sne.s32 s4, $0x103E0;
	v2 =	vld [tilespmem:s5+$0x0]  }
.Ltmp19:
0x15d: {  	_ = 	snop;
	(pc) =	sbr.rel @p1 .LBB2_40-.Ltmp19, $2  }
0x15e: {  	_ =	sdelay $0x2  }
0x15f: {  	s4 =	sadd.s32 $0x20, s4;
	s9 =	sadd.s32 $0x10, s9;
	[tilespmem:s8+$0x0] =	vst v2;
	s8 =	sadd.s32 $0x10, s8  }
0x160: {  	[spmem:s2] =	stream.indirect.scatter.add.f32 [tilespmem:s24], [sflag:$0x4], $0x1, s29, s22, $0xb8;
	[tilespmem:$0x1FF40] =	vst v63  }
0x161: {  	_ =	swait.ge [sflag:s16], $0x4100  }
0x162: {  	[sflag:s16] =	ssyncset.done $0x0  }
0x163: {  	[sflag:s16] =	ssyncadd.s32 $0xFFFFBF00  }
0x164: {  	_ =	swait.ge [sflag:s31], $0x1040  }
0x165: {  	[sflag:s31] =	ssyncset.done $0x0  }
0x166: {  	s7 =	simm.s32 $0x104F0;
	[sflag:s31] =	ssyncadd.s32 $0xFFFFEFC0  }
0x167: {  	v5 =	vld [tilespmem:s7+$0x0]  }
0x168: {  	v6 =	vld [tilespmem:s7+$0xFFFFFFA0]  }
0x169: {  	v7 =	vld [tilespmem:s7+$0xFFFFFFB0]  }
0x16a: {  	v2 =	vld [tilespmem:s7+$0xFFFFFFC0]  }
0x16b: {  	s5 =	simm.s32 $0x1B0C0;
	v3 =	vld [tilespmem:s7+$0xFFFFFFD0]  }
0x16c: {  	v4 =	vld [tilespmem:s7+$0xFFFFFFE0];
	[tilespmem:s5+$0x30] =	vst v5  }
0x16d: {  	[tilespmem:s5+$0xFFFFFFD0] =	vst v6;
	v5 =	vld [tilespmem:s7+$0xFFFFFFF0]  }
0x16e: {  	s6 =	simm.s32 $0x0;
	s4 =	simm.s32 $0x10480;
	v6 =	vld [tilespmem:s7+$0xFFFFFF90];
	[tilespmem:s5+$0xFFFFFFE0] =	vst v7;
	s7 =	simm.s32 $0x105F0  }
.LBB2_42:
0x16f: {  	v7 =	vld [tilespmem:s7+$0x0];
	s6 =	sadd.s32 $0x8, s6;
	[tilespmem:s5+$0xFFFFFFF0] =	vst v2  }
0x170: {  	v8 =	vld [tilespmem:s7+$0xFFFFFFA0];
	p1 =	slt.u32 s6, $0xF8;
	[tilespmem:s5+$0x0] =	vst v3  }
0x171: {  	v9 =	vld [tilespmem:s7+$0xFFFFFFB0];
	[tilespmem:s5+$0x10] =	vst v4  }
.Ltmp20:
0x172: {  	v2 =	vld [tilespmem:s7+$0xFFFFFFC0];
	[tilespmem:s5+$0x20] =	vst v5;
	(pc) =	sbr.rel @p1 .LBB2_42-.Ltmp20, $4  }
0x173: {  	v3 =	vld [tilespmem:s7+$0xFFFFFFD0];
	[tilespmem:s5+$0xFFFFFFC0] =	vst v6;
	s5 =	sadd.s32 $0x80, s5  }
0x174: {  	s8 =	simm.s32 $0x2000;
	s9 =	simm.s32 $0x1C080;
	v4 =	vld [tilespmem:s7+$0xFFFFFFE0];
	[tilespmem:s5+$0x30] =	vst v7  }
0x175: {  	[tilespmem:s5+$0xFFFFFFD0] =	vst v8;
	v5 =	vld [tilespmem:s7+$0xFFFFFFF0]  }
0x176: {  	v6 =	vld [tilespmem:s7+$0xFFFFFF90];
	[tilespmem:s5+$0xFFFFFFE0] =	vst v9;
	s7 =	sadd.s32 $0x100, s7  }
0x177: {  	[tilespmem:s5+$0xFFFFFFF0] =	vst v2  }
0x178: {  	[tilespmem:s5+$0x0] =	vst v3  }
0x179: {  	[tilespmem:s5+$0x10] =	vst v4  }
0x17a: {  	[tilespmem:s5+$0x20] =	vst v5  }
0x17b: {  	[tilespmem:s5+$0xFFFFFFC0] =	vst v6  }
.LBB2_44:
0x17c: {  	s5 =	sand.u32 $0x3FFFFF00, s8  }
0x17d: {  	s5 =	sadd.s32 s5, s4  }
0x17e: {  	p1 =	sne.s32 s8, $0x2060;
	v2 =	vld [tilespmem:s5+$0x0]  }
.Ltmp21:
0x17f: {  	_ = 	snop;
	(pc) =	sbr.rel @p1 .LBB2_44-.Ltmp21, $2  }
0x180: {  	_ =	sdelay $0x2  }
0x181: {  	s8 =	sadd.s32 $0x20, s8;
	s4 =	sadd.s32 $0x10, s4;
	[tilespmem:s9+$0x0] =	vst v2;
	s9 =	sadd.s32 $0x10, s9  }
0x182: {  	[spmem:s2] =	stream.indirect.scatter.add.f32 [tilespmem:s24], [sflag:$0x1], $0x1, s23, s22, $0xb8;
	[tilespmem:$0x1FF40] =	vst v63  }
0x183: {  	_ =	swait.ge [sflag:s1], $0x1040  }
0x184: {  	[sflag:s1] =	ssyncset.done $0x0  }
0x185: {  	s7 =	simm.s32 $0x125B0;
	[sflag:s1] =	ssyncadd.s32 $0xFFFFEFC0  }
0x186: {  	v5 =	vld [tilespmem:s7+$0x0]  }
0x187: {  	v6 =	vld [tilespmem:s7+$0xFFFFFF20]  }
0x188: {  	v7 =	vld [tilespmem:s7+$0xFFFFFF30]  }
0x189: {  	v2 =	vld [tilespmem:s7+$0xFFFFFF40]  }
0x18a: {  	s5 =	simm.s32 $0x1C140;
	v3 =	vld [tilespmem:s7+$0xFFFFFFD0]  }
0x18b: {  	v4 =	vld [tilespmem:s7+$0xFFFFFFE0];
	[tilespmem:s5+$0x30] =	vst v5  }
0x18c: {  	[tilespmem:s5+$0xFFFFFFD0] =	vst v6;
	v5 =	vld [tilespmem:s7+$0xFFFFFFF0]  }
0x18d: {  	s6 =	simm.s32 $0x0;
	s4 =	simm.s32 $0x14480;
	v6 =	vld [tilespmem:s7+$0xFFFFFF10];
	[tilespmem:s5+$0xFFFFFFE0] =	vst v7;
	s7 =	simm.s32 $0x126B0  }
.LBB2_46:
0x18e: {  	v7 =	vld [tilespmem:s7+$0x0];
	s6 =	sadd.s32 $0x8, s6;
	[tilespmem:s5+$0xFFFFFFF0] =	vst v2  }
0x18f: {  	v8 =	vld [tilespmem:s7+$0xFFFFFF20];
	p1 =	slt.u32 s6, $0xF8;
	[tilespmem:s5+$0x0] =	vst v3  }
0x190: {  	v9 =	vld [tilespmem:s7+$0xFFFFFF30];
	[tilespmem:s5+$0x10] =	vst v4  }
.Ltmp22:
0x191: {  	v2 =	vld [tilespmem:s7+$0xFFFFFF40];
	[tilespmem:s5+$0x20] =	vst v5;
	(pc) =	sbr.rel @p1 .LBB2_46-.Ltmp22, $4  }
0x192: {  	v3 =	vld [tilespmem:s7+$0xFFFFFFD0];
	[tilespmem:s5+$0xFFFFFFC0] =	vst v6;
	s5 =	sadd.s32 $0x80, s5  }
0x193: {  	s8 =	simm.s32 $0x1D100;
	s9 =	simm.s32 $0xC0;
	v4 =	vld [tilespmem:s7+$0xFFFFFFE0];
	[tilespmem:s5+$0x30] =	vst v7  }
0x194: {  	[tilespmem:s5+$0xFFFFFFD0] =	vst v8;
	v5 =	vld [tilespmem:s7+$0xFFFFFFF0]  }
0x195: {  	v6 =	vld [tilespmem:s7+$0xFFFFFF10];
	[tilespmem:s5+$0xFFFFFFE0] =	vst v9;
	s7 =	sadd.s32 $0x100, s7  }
0x196: {  	[tilespmem:s5+$0xFFFFFFF0] =	vst v2  }
0x197: {  	[tilespmem:s5+$0x0] =	vst v3  }
0x198: {  	[tilespmem:s5+$0x10] =	vst v4  }
0x199: {  	[tilespmem:s5+$0x20] =	vst v5  }
0x19a: {  	[tilespmem:s5+$0xFFFFFFC0] =	vst v6  }
.LBB2_48:
0x19b: {  	s5 =	sand.u32 $0x17F00, s4  }
0x19c: {  	s5 =	sadd.s32 s5, s9  }
0x19d: {  	p1 =	sne.s32 s4, $0x144E0;
	v2 =	vld [tilespmem:s5+$0x0]  }
.Ltmp23:
0x19e: {  	_ = 	snop;
	(pc) =	sbr.rel @p1 .LBB2_48-.Ltmp23, $2  }
0x19f: {  	_ =	sdelay $0x2  }
0x1a0: {  	s4 =	sadd.s32 $0x20, s4;
	s9 =	sadd.s32 $0x10, s9;
	[tilespmem:s8+$0x0] =	vst v2;
	s8 =	sadd.s32 $0x10, s8  }
0x1a1: {  	[spmem:s2] =	stream.indirect.scatter.add.f32 [tilespmem:s24], [sflag:$0x2], $0x1, s25, s22, $0xb8;
	[tilespmem:$0x1FF40] =	vst v63  }
0x1a2: {  	_ =	swait.ge [sflag:s17], $0x4100  }
0x1a3: {  	[sflag:s17] =	ssyncset.done $0x0  }
0x1a4: {  	[sflag:s17] =	ssyncadd.s32 $0xFFFFBF00  }
0x1a5: {  	_ =	swait.ge [sflag:s14], $0x1040  }
0x1a6: {  	[sflag:s14] =	ssyncset.done $0x0  }
0x1a7: {  	s7 =	simm.s32 $0x145F0;
	[sflag:s14] =	ssyncadd.s32 $0xFFFFEFC0  }
0x1a8: {  	v5 =	vld [tilespmem:s7+$0x0]  }
0x1a9: {  	v6 =	vld [tilespmem:s7+$0xFFFFFFA0]  }
0x1aa: {  	v7 =	vld [tilespmem:s7+$0xFFFFFFB0]  }
0x1ab: {  	v2 =	vld [tilespmem:s7+$0xFFFFFFC0]  }
0x1ac: {  	s5 =	simm.s32 $0x1D1C0;
	v3 =	vld [tilespmem:s7+$0xFFFFFFD0]  }
0x1ad: {  	v4 =	vld [tilespmem:s7+$0xFFFFFFE0];
	[tilespmem:s5+$0x30] =	vst v5  }
0x1ae: {  	[tilespmem:s5+$0xFFFFFFD0] =	vst v6;
	v5 =	vld [tilespmem:s7+$0xFFFFFFF0]  }
0x1af: {  	s6 =	simm.s32 $0x0;
	s4 =	simm.s32 $0x14580;
	v6 =	vld [tilespmem:s7+$0xFFFFFF90];
	[tilespmem:s5+$0xFFFFFFE0] =	vst v7;
	s7 =	simm.s32 $0x146F0  }
.LBB2_50:
0x1b0: {  	v7 =	vld [tilespmem:s7+$0x0];
	s6 =	sadd.s32 $0x8, s6;
	[tilespmem:s5+$0xFFFFFFF0] =	vst v2  }
0x1b1: {  	v8 =	vld [tilespmem:s7+$0xFFFFFFA0];
	p1 =	slt.u32 s6, $0xF8;
	[tilespmem:s5+$0x0] =	vst v3  }
0x1b2: {  	v9 =	vld [tilespmem:s7+$0xFFFFFFB0];
	[tilespmem:s5+$0x10] =	vst v4  }
.Ltmp24:
0x1b3: {  	v2 =	vld [tilespmem:s7+$0xFFFFFFC0];
	[tilespmem:s5+$0x20] =	vst v5;
	(pc) =	sbr.rel @p1 .LBB2_50-.Ltmp24, $4  }
0x1b4: {  	v3 =	vld [tilespmem:s7+$0xFFFFFFD0];
	[tilespmem:s5+$0xFFFFFFC0] =	vst v6;
	s5 =	sadd.s32 $0x80, s5  }
0x1b5: {  	s8 =	simm.s32 $0x2000;
	s9 =	simm.s32 $0x1E180;
	v4 =	vld [tilespmem:s7+$0xFFFFFFE0];
	[tilespmem:s5+$0x30] =	vst v7  }
0x1b6: {  	[tilespmem:s5+$0xFFFFFFD0] =	vst v8;
	v5 =	vld [tilespmem:s7+$0xFFFFFFF0]  }
0x1b7: {  	v6 =	vld [tilespmem:s7+$0xFFFFFF90];
	[tilespmem:s5+$0xFFFFFFE0] =	vst v9;
	s7 =	sadd.s32 $0x100, s7  }
0x1b8: {  	[tilespmem:s5+$0xFFFFFFF0] =	vst v2  }
0x1b9: {  	[tilespmem:s5+$0x0] =	vst v3  }
0x1ba: {  	[tilespmem:s5+$0x10] =	vst v4  }
0x1bb: {  	[tilespmem:s5+$0x20] =	vst v5  }
0x1bc: {  	[tilespmem:s5+$0xFFFFFFC0] =	vst v6  }
.LBB2_52:
0x1bd: {  	s5 =	sand.u32 $0x3FFFFF00, s8  }
0x1be: {  	s5 =	sadd.s32 s5, s4  }
0x1bf: {  	p1 =	sne.s32 s8, $0x2060;
	v2 =	vld [tilespmem:s5+$0x0]  }
.Ltmp25:
0x1c0: {  	_ = 	snop;
	(pc) =	sbr.rel @p1 .LBB2_52-.Ltmp25, $2  }
0x1c1: {  	_ =	sdelay $0x2  }
0x1c2: {  	s8 =	sadd.s32 $0x20, s8;
	s4 =	sadd.s32 $0x10, s4;
	[tilespmem:s9+$0x0] =	vst v2;
	s9 =	sadd.s32 $0x10, s9  }
0x1c3: {  	[spmem:s2] =	stream.indirect.scatter.add.f32 [tilespmem:s24], [sflag:$0x3], $0x1, s28, s22, $0xb8;
	[tilespmem:$0x1FF40] =	vst v63  }
0x1c4: {  	_ =	swait.ge [sflag:s15], $0x1040  }
0x1c5: {  	[sflag:s15] =	ssyncset.done $0x0  }
0x1c6: {  	s7 =	simm.s32 $0x166B0;
	[sflag:s15] =	ssyncadd.s32 $0xFFFFEFC0  }
0x1c7: {  	v5 =	vld [tilespmem:s7+$0x0]  }
0x1c8: {  	v6 =	vld [tilespmem:s7+$0xFFFFFF20]  }
0x1c9: {  	v7 =	vld [tilespmem:s7+$0xFFFFFF30]  }
0x1ca: {  	v2 =	vld [tilespmem:s7+$0xFFFFFF40]  }
0x1cb: {  	s5 =	simm.s32 $0x1E240;
	v3 =	vld [tilespmem:s7+$0xFFFFFFD0]  }
0x1cc: {  	v4 =	vld [tilespmem:s7+$0xFFFFFFE0];
	[tilespmem:s5+$0x30] =	vst v5  }
0x1cd: {  	[tilespmem:s5+$0xFFFFFFD0] =	vst v6;
	v5 =	vld [tilespmem:s7+$0xFFFFFFF0]  }
0x1ce: {  	s6 =	simm.s32 $0x0;
	s4 =	simm.s32 $0x18580;
	v6 =	vld [tilespmem:s7+$0xFFFFFF10];
	[tilespmem:s5+$0xFFFFFFE0] =	vst v7;
	s7 =	simm.s32 $0x167B0  }
.LBB2_54:
0x1cf: {  	v7 =	vld [tilespmem:s7+$0x0];
	s6 =	sadd.s32 $0x8, s6;
	[tilespmem:s5+$0xFFFFFFF0] =	vst v2  }
0x1d0: {  	v8 =	vld [tilespmem:s7+$0xFFFFFF20];
	p1 =	slt.u32 s6, $0xF8;
	[tilespmem:s5+$0x0] =	vst v3  }
0x1d1: {  	v9 =	vld [tilespmem:s7+$0xFFFFFF30];
	[tilespmem:s5+$0x10] =	vst v4  }
.Ltmp26:
0x1d2: {  	v2 =	vld [tilespmem:s7+$0xFFFFFF40];
	[tilespmem:s5+$0x20] =	vst v5;
	(pc) =	sbr.rel @p1 .LBB2_54-.Ltmp26, $4  }
0x1d3: {  	v3 =	vld [tilespmem:s7+$0xFFFFFFD0];
	[tilespmem:s5+$0xFFFFFFC0] =	vst v6;
	s5 =	sadd.s32 $0x80, s5  }
0x1d4: {  	s8 =	simm.s32 $0x1F200;
	s9 =	simm.s32 $0xC0;
	v4 =	vld [tilespmem:s7+$0xFFFFFFE0];
	[tilespmem:s5+$0x30] =	vst v7  }
0x1d5: {  	[tilespmem:s5+$0xFFFFFFD0] =	vst v8;
	v5 =	vld [tilespmem:s7+$0xFFFFFFF0]  }
0x1d6: {  	v6 =	vld [tilespmem:s7+$0xFFFFFF10];
	[tilespmem:s5+$0xFFFFFFE0] =	vst v9;
	s7 =	sadd.s32 $0x100, s7  }
0x1d7: {  	[tilespmem:s5+$0xFFFFFFF0] =	vst v2  }
0x1d8: {  	[tilespmem:s5+$0x0] =	vst v3  }
0x1d9: {  	[tilespmem:s5+$0x10] =	vst v4  }
0x1da: {  	[tilespmem:s5+$0x20] =	vst v5  }
0x1db: {  	[tilespmem:s5+$0xFFFFFFC0] =	vst v6  }
.LBB2_56:
0x1dc: {  	s5 =	sand.u32 $0x3FFFFF00, s4  }
0x1dd: {  	s5 =	sadd.s32 s5, s9  }
0x1de: {  	p1 =	sne.s32 s4, $0x185E0;
	v2 =	vld [tilespmem:s5+$0x0]  }
.Ltmp27:
0x1df: {  	_ = 	snop;
	(pc) =	sbr.rel @p1 .LBB2_56-.Ltmp27, $2  }
0x1e0: {  	_ =	sdelay $0x2  }
0x1e1: {  	s4 =	sadd.s32 $0x20, s4;
	s9 =	sadd.s32 $0x10, s9;
	[tilespmem:s8+$0x0] =	vst v2;
	s8 =	sadd.s32 $0x10, s8  }
0x1e2: {  	[spmem:s2] =	stream.indirect.scatter.add.f32 [tilespmem:s24], [sflag:$0x4], $0x1, s29, s22, $0xb8;
	[tilespmem:$0x1FF40] =	vst v63  }
0x1e3: {  	_ =	swait.ge [sflag:s31], $0x1040  }
0x1e4: {  	[sflag:s31] =	ssyncset.done $0x0  }
0x1e5: {  	[sflag:s31] =	ssyncadd.s32 $0xFFFFEFC0  }
0x1e6: {  	_ =	swait.ge [sflag:s1], $0x1040  }
0x1e7: {  	[sflag:s1] =	ssyncset.done $0x0  }
0x1e8: {  	[sflag:s1] =	ssyncadd.s32 $0xFFFFEFC0  }
0x1e9: {  	_ =	swait.ge [sflag:s14], $0x1040  }
0x1ea: {  	[sflag:s14] =	ssyncset.done $0x0  }
0x1eb: {  	[sflag:s14] =	ssyncadd.s32 $0xFFFFEFC0  }
0x1ec: {  	_ =	swait.ge [sflag:s15], $0x1040  }
0x1ed: {  	[sflag:s15] =	ssyncset.done $0x0  }
0x1ee: {  	s4 =	simm.s32 @!p0 $0x5;
	[sflag:s15] =	ssyncadd.s32 $0xFFFFEFC0  }
0x1ef: {  	_ =	swait.ge @!p0 [sflag:s4], $0x80  }
0x1f0: {  	[sflag:s4] =	ssyncset.done @!p0 $0x0  }
0x1f1: {  	[sflag:s4] =	ssyncadd.s32 @!p0 $0xFFFFFF80  }
0x1f2: {  	[bflag:$0x0] =	sbarrier.arrive $0xFFFF  }
0x1f3: {  	[tilespmem:s18], [sflag:$0xC] =	stream.linear.gather [spmem:s10], $0xC40, $0x38;
	[tilespmem:$0x1FF40] =	vst v63  }
0x1f4: {  	s19 =	sadd.s32 $0x1, s19;
	_ =	swait.ge [sflag:s20], $0xC40  }
0x1f5: {  	p1 =	sne.s32 s19, s13;
	[sflag:s20] =	ssyncset.done $0x0  }
.Ltmp28:
0x1f6: {  	[sflag:s20] =	ssyncadd.s32 $0xFFFFF3C0;
	(pc) =	sbr.rel @p1 .LBB2_1-.Ltmp28, $4  }
0x1f7: {  	[hbm4b:s12+s3] =	stream.linear.scatter [tilespmem:s18], [sflag:$0xC], $0xC40, $0x38;
	[tilespmem:$0x1FF40] =	vst v63  }
0x1f8: {  	_ =	swait.ge [sflag:s20], $0xC40  }
0x1f9: {  	[sflag:s20] =	ssyncset.done $0x0  }
0x1fa: {  	[sflag:s20] =	ssyncadd.s32 $0xFFFFF3C0  }
0x1fb: {  	_ =	sfence.sel $0x180000  }
0x1fc: {  	[bflag:$0x0] =	sbarrier.arrive $0xFFFF  }
0x1fd: {  	_ =	strace $0x90000047  }
0x1fe: {  	s0 =	stileid.u32;
	[bflag:$0x2] =	sbarrier.arrive $0xFFFF  }
0x1ff: {  	p0 =	sne.s32 s0, $0x0;
	s0 =	rddreg [dreg:$0x3]  }
0x200: {  	s0 =	sadd.s32 @!p0 $0x100000, s0  }
0x201: {  	[sflag:s0] =	ssyncadd.tile.s32 @!p0 $0x1;
	_ =	shalt  }
.Lfunc_end2:
_tile_overlayer_lowered:
.L_overlay_start_2:
0x202: {  	(tag) =	ssettag $0x2  }
0x203: {  	s0 =	rddreg [dreg:$0x0];
	s2 =	stileid.u32  }
0x204: {  	s1 =	rddreg [dreg:$0x1];
	p0 =	sne.s32 s2, $0x0  }
0x205: {  	s3 =	rddreg [dreg:$0x2];
	[bflag:$0x3] =	sbarrier.arrive $0xFFFF;
	s2 =	simm.s32 @!p0 $0x1C0C  }
0x206: {  	[timem:s3], [sflag:s2] =	dma.local @!p0 [hbm:s0], s1  }
0x207: {  	s0 =	simm.s32 @!p0 $0xC  }
0x208: {  	_ =	swait.ge @!p0 [sflag:s0], s1  }
0x209: {  	s1 =	ssub.s32 @!p0 $0x0, s1;
	[sflag:s0] =	ssyncset.done @!p0 $0x0  }
0x20a: {  	[sflag:s0] =	ssyncadd.s32 @!p0 s1  }
0x20b: {  	[bflag:$0x3] =	sbarrier.arrive $0xFFFF  }
0x20c: {  	_ =	shalt  }

</sc_bundles>
